<compile_context>
chip_gen: v7x
topology: tpu7x:2x2x1
jax: 0.10.2.dev20260603
libtpu: 0.0.44.dev20260713+nightly
codegen_flags: <defaults>
</compile_context>

<pallas_src>
import jax
import jax.numpy as jnp
from jax import lax
from jax.experimental import pallas as pl
from jax.experimental.pallas import tpu as pltpu
from jax.experimental.pallas import tpu_sc as plsc

B, T, F = 4096, 200, 64
S = 50
NC, NS, L = 2, 16, 16
NW = NC * NS
LT = 128
GROUPS = LT // L


def _body(x_hbm, idx_hbm, out_hbm,
          idx_v, slab0, slab1, out0, out1, sg0, sg1, sw0, sw1):
    j = lax.axis_index("s") * NC + lax.axis_index("c")
    iota = lax.iota(jnp.int32, L)
    lane_vecs = [g * L + iota for g in range(GROUPS)]
    lanes = j * LT

    pltpu.sync_copy(idx_hbm.at[:, pl.ds(lanes, LT)], idx_v)

    def fire_g(fc, slab_ref, sem):
        h = T // 2
        pltpu.async_copy(
            x_hbm.at[pl.ds(0, h), fc, pl.ds(lanes, LT)],
            slab_ref.at[pl.ds(0, h), :], sem,
        )
        pltpu.async_copy(
            x_hbm.at[pl.ds(h, h), fc, pl.ds(lanes, LT)],
            slab_ref.at[pl.ds(h, h), :], sem,
        )

    def drain_g(slab_ref, sem):
        pltpu.make_async_copy(
            x_hbm.at[:, 0, pl.ds(lanes, LT)], slab_ref, sem
        ).wait()

    def fire_w(fc, out_ref, sem):
        pltpu.async_copy(out_ref, out_hbm.at[:, fc, pl.ds(lanes, LT)], sem)

    def drain_w(out_ref, sem):
        pltpu.make_async_copy(
            out_ref, out_hbm.at[:, 0, pl.ds(lanes, LT)], sem
        ).wait()

    def compute(slab_ref, out_ref):
        def s_body(s, carry):
            for g in range(GROUPS):
                tv = idx_v[s, pl.ds(g * L, L)]
                out_ref[s, pl.ds(g * L, L)] = plsc.load_gather(
                    slab_ref, [tv, lane_vecs[g]]
                )
            return carry

        lax.fori_loop(0, S, s_body, 0)

    bufs = ((slab0, out0, sg0, sw0), (slab1, out1, sg1, sw1))

    fire_g(0, slab0, sg0)
    fire_g(1, slab1, sg1)
    for fc in (0, 1):
        slab_r, out_r, sg, sw = bufs[fc]
        drain_g(slab_r, sg)
        compute(slab_r, out_r)
        fire_w(fc, out_r, sw)
        fire_g(fc + 2, slab_r, sg)

    def k_body(k, carry):
        for b, (slab_r, out_r, sg, sw) in enumerate(bufs):
            fc = 2 * k + b
            drain_g(slab_r, sg)
            drain_w(out_r, sw)
            compute(slab_r, out_r)
            fire_w(fc, out_r, sw)
            fire_g(fc + 2, slab_r, sg)
        return carry

    lax.fori_loop(1, F // 2 - 1, k_body, 0)

    for b, (slab_r, out_r, sg, sw) in enumerate(bufs):
        fc = F - 2 + b
        drain_g(slab_r, sg)
        drain_w(out_r, sw)
        compute(slab_r, out_r)
        fire_w(fc, out_r, sw)
    for b, (slab_r, out_r, sg, sw) in enumerate(bufs):
        drain_w(out_r, sw)


@jax.jit
def kernel(x, indices):
    xt = jnp.transpose(x, (1, 2, 0))
    idxt = jnp.transpose(indices.astype(jnp.int32), (1, 0))
    call = pl.kernel(
        _body,
        out_type=jax.ShapeDtypeStruct((S, F, B), jnp.float32),
        mesh=plsc.VectorSubcoreMesh(core_axis_name="c", subcore_axis_name="s"),
        scratch_types=[
            pltpu.VMEM((S, LT), jnp.int32),
            pltpu.VMEM((T, LT), jnp.float32),
            pltpu.VMEM((T, LT), jnp.float32),
            pltpu.VMEM((S, LT), jnp.float32),
            pltpu.VMEM((S, LT), jnp.float32),
            pltpu.SemaphoreType.DMA,
            pltpu.SemaphoreType.DMA,
            pltpu.SemaphoreType.DMA,
            pltpu.SemaphoreType.DMA,
        ],
        compiler_params=pltpu.CompilerParams(
            use_tc_tiling_on_sc=True, needs_layout_passes=False
        ),
    )
    outt = call(xt, idxt)
    return jnp.transpose(outt, (2, 0, 1))

# --- scband reference (transcript-rebuilt; emitter-appended) ---
"""Pipeline reference for scband-feature-selection1-d-21861383537246 (READ-ONLY COPY).

The authoritative reference and input builder live on the scoring server;
editing this copy changes nothing except your own understanding.
"""

import jax, jax.numpy as jnp
import numpy as np


def setup_inputs(seed: int = 0) -> dict:
    key = jax.random.key(seed)
    k1, k2 = jax.random.split(key)
    x = jax.random.normal(k1, (4096, 200, 64), dtype=jnp.float32)
    indices = jax.random.randint(k2, (4096, 50), 0, 200, dtype=jnp.int64 if jax.config.jax_enable_x64 else jnp.int32)
    return {"x": x, "indices": indices}


def reference(x, indices):
    # tf.batch_gather(a, b): for each batch row, gather timesteps given by indices
    # x: [B, T, F], indices: [B, S] -> out: [B, S, F]
    return jnp.take_along_axis(x, indices[:, :, None], axis=1)

if __name__ == "__main__":
    import jax
    _d = setup_inputs()
    print(jax.jit(kernel)(*tuple(_d.values())))

</pallas_src>

<mosaic_0001>
#map = affine_map<(d0, d1) -> (0, 0, 0)>
#map1 = affine_map<(d0, d1) -> (0, 0)>
module attributes {stable_mosaic.version = 14 : i64} {
  func.func @_body(%arg0: i32, %arg1: i32, %arg2: memref<200x64x4096xf32, #tpu.memory_space<hbm>>, %arg3: memref<50x4096xi32, #tpu.memory_space<hbm>>, %arg4: memref<50x64x4096xf32, #tpu.memory_space<hbm>>, %arg5: memref<50x128xi32, #tpu.memory_space<vmem>>, %arg6: memref<200x128xf32, #tpu.memory_space<vmem>>, %arg7: memref<200x128xf32, #tpu.memory_space<vmem>>, %arg8: memref<50x128xf32, #tpu.memory_space<vmem>>, %arg9: memref<50x128xf32, #tpu.memory_space<vmem>>, %arg10: memref<!tpu.dma_semaphore, #tpu.memory_space<semaphore_mem>>, %arg11: memref<!tpu.dma_semaphore, #tpu.memory_space<semaphore_mem>>, %arg12: memref<!tpu.dma_semaphore, #tpu.memory_space<semaphore_mem>>, %arg13: memref<!tpu.dma_semaphore, #tpu.memory_space<semaphore_mem>>) attributes {dimension_semantics = [#tpu.dimension_semantics<core_parallel>, #tpu.dimension_semantics<subcore_parallel>], iteration_bounds = array<i64: 2, 16>, scalar_prefetch = 0 : i64, scratch_operands = 9 : i64, tpu.core_type = #tpu.core_type<sc_vector_subcore>, window_params = [{transform_indices = #map}, {transform_indices = #map1}, {transform_indices = #map}]} {
    %mul3A = arith.constant 2 : i32
    %mul3A_0 = arith.muli %arg1, %mul3A : i32
    %add3A = arith.addi %mul3A_0, %arg0 : i32
    %iota3A = tpu.iota {dimensions = array<i32: 0>} : vector<16xi32>
    %add3A_1 = arith.constant 0 : i32
    %add3A_2 = vector.broadcast %add3A_1 : i32 to vector<16xi32>
    %add3A_3 = arith.addi %add3A_2, %iota3A : vector<16xi32>
    %add3A_4 = arith.constant 16 : i32
    %add3A_5 = vector.broadcast %add3A_4 : i32 to vector<16xi32>
    %add3A_6 = arith.addi %add3A_5, %iota3A : vector<16xi32>
    %add3A_7 = arith.constant 32 : i32
    %add3A_8 = vector.broadcast %add3A_7 : i32 to vector<16xi32>
    %add3A_9 = arith.addi %add3A_8, %iota3A : vector<16xi32>
    %add3A_10 = arith.constant 48 : i32
    %add3A_11 = vector.broadcast %add3A_10 : i32 to vector<16xi32>
    %add3A_12 = arith.addi %add3A_11, %iota3A : vector<16xi32>
    %add3A_13 = arith.constant 64 : i32
    %add3A_14 = vector.broadcast %add3A_13 : i32 to vector<16xi32>
    %add3A_15 = arith.addi %add3A_14, %iota3A : vector<16xi32>
    %add3A_16 = arith.constant 80 : i32
    %add3A_17 = vector.broadcast %add3A_16 : i32 to vector<16xi32>
    %add3A_18 = arith.addi %add3A_17, %iota3A : vector<16xi32>
    %add3A_19 = arith.constant 96 : i32
    %add3A_20 = vector.broadcast %add3A_19 : i32 to vector<16xi32>
    %add3A_21 = arith.addi %add3A_20, %iota3A : vector<16xi32>
    %add3A_22 = arith.constant 112 : i32
    %add3A_23 = vector.broadcast %add3A_22 : i32 to vector<16xi32>
    %add3A_24 = arith.addi %add3A_23, %iota3A : vector<16xi32>
    %mul3A_25 = arith.constant 128 : i32
    %mul3A_26 = arith.muli %add3A, %mul3A_25 : i32
    "tpu.region"() ({
      %run_scoped3A = tpu.sem_alloc : memref<!tpu.dma_semaphore, #tpu.memory_space<semaphore_mem>>
      %dma_start3A_242 = arith.constant 0 : i32
      %dma_start3A_243 = tpu.memref_slice %arg3[%dma_start3A_242, %mul3A_26] : memref<50x4096xi32, #tpu.memory_space<hbm>> -> memref<50x128xi32, #tpu.memory_space<hbm>>
      %dma_start3A_244 = arith.constant 0 : i32
      %dma_start3A_245 = tpu.memref_slice %arg3[%dma_start3A_244, %mul3A_26] : memref<50x4096xi32, #tpu.memory_space<hbm>> -> memref<50x128xi32, #tpu.memory_space<hbm>>
      tpu.enqueue_dma source(%dma_start3A_245 : memref<50x128xi32, #tpu.memory_space<hbm>>) target(%arg5 : memref<50x128xi32, #tpu.memory_space<vmem>>) target_semaphore(%run_scoped3A : memref<!tpu.dma_semaphore, #tpu.memory_space<semaphore_mem>>)
      %dma_wait3A_246 = arith.constant 0 : i32
      %dma_wait3A_247 = tpu.memref_slice %arg3[%dma_wait3A_246, %mul3A_26] : memref<50x4096xi32, #tpu.memory_space<hbm>> -> memref<50x128xi32, #tpu.memory_space<hbm>>
      %dma_wait3A_248 = arith.constant 0 : i32
      %dma_wait3A_249 = tpu.memref_slice %arg3[%dma_wait3A_248, %mul3A_26] : memref<50x4096xi32, #tpu.memory_space<hbm>> -> memref<50x128xi32, #tpu.memory_space<hbm>>
      tpu.wait_dma2 semaphore(%run_scoped3A : memref<!tpu.dma_semaphore, #tpu.memory_space<semaphore_mem>>) src(%dma_wait3A_249 : memref<50x128xi32, #tpu.memory_space<hbm>>) dst(%arg5 : memref<50x128xi32, #tpu.memory_space<vmem>>)
      tpu.yield
    }) : () -> ()
    %dma_start3A = arith.constant 0 : i32
    %dma_start3A_27 = arith.constant 0 : i32
    %dma_start3A_28 = arith.constant 0 : i32
    %dma_start3A_29 = tpu.memref_slice %arg6[%dma_start3A_27, %dma_start3A_28] : memref<200x128xf32, #tpu.memory_space<vmem>> -> memref<100x128xf32, #tpu.memory_space<vmem>>
    %dma_start3A_30 = arith.constant 0 : i32
    %dma_start3A_31 = tpu.memref_slice %arg2[%dma_start3A_30, %dma_start3A, %mul3A_26] : memref<200x64x4096xf32, #tpu.memory_space<hbm>> -> memref<100x1x128xf32, #tpu.memory_space<hbm>>
    %dma_start3A_32 = tpu.memref_squeeze %dma_start3A_31 : memref<100x1x128xf32, #tpu.memory_space<hbm>> -> memref<100x128xf32, #tpu.memory_space<hbm>>
    %dma_start3A_33 = arith.constant 0 : i32
    %dma_start3A_34 = arith.constant 0 : i32
    %dma_start3A_35 = tpu.memref_slice %arg6[%dma_start3A_33, %dma_start3A_34] : memref<200x128xf32, #tpu.memory_space<vmem>> -> memref<100x128xf32, #tpu.memory_space<vmem>>
    %dma_start3A_36 = arith.constant 0 : i32
    %dma_start3A_37 = tpu.memref_slice %arg2[%dma_start3A_36, %dma_start3A, %mul3A_26] : memref<200x64x4096xf32, #tpu.memory_space<hbm>> -> memref<100x1x128xf32, #tpu.memory_space<hbm>>
    %dma_start3A_38 = tpu.memref_squeeze %dma_start3A_37 : memref<100x1x128xf32, #tpu.memory_space<hbm>> -> memref<100x128xf32, #tpu.memory_space<hbm>>
    tpu.enqueue_dma source(%dma_start3A_38 : memref<100x128xf32, #tpu.memory_space<hbm>>) target(%dma_start3A_35 : memref<100x128xf32, #tpu.memory_space<vmem>>) target_semaphore(%arg10 : memref<!tpu.dma_semaphore, #tpu.memory_space<semaphore_mem>>)
    %dma_start3A_39 = arith.constant 0 : i32
    %dma_start3A_40 = arith.constant 100 : i32
    %dma_start3A_41 = arith.constant 0 : i32
    %dma_start3A_42 = tpu.memref_slice %arg6[%dma_start3A_40, %dma_start3A_41] : memref<200x128xf32, #tpu.memory_space<vmem>> -> memref<100x128xf32, #tpu.memory_space<vmem>>
    %dma_start3A_43 = arith.constant 100 : i32
    %dma_start3A_44 = tpu.memref_slice %arg2[%dma_start3A_43, %dma_start3A_39, %mul3A_26] : memref<200x64x4096xf32, #tpu.memory_space<hbm>> -> memref<100x1x128xf32, #tpu.memory_space<hbm>>
    %dma_start3A_45 = tpu.memref_squeeze %dma_start3A_44 : memref<100x1x128xf32, #tpu.memory_space<hbm>> -> memref<100x128xf32, #tpu.memory_space<hbm>>
    %dma_start3A_46 = arith.constant 100 : i32
    %dma_start3A_47 = arith.constant 0 : i32
    %dma_start3A_48 = tpu.memref_slice %arg6[%dma_start3A_46, %dma_start3A_47] : memref<200x128xf32, #tpu.memory_space<vmem>> -> memref<100x128xf32, #tpu.memory_space<vmem>>
    %dma_start3A_49 = arith.constant 100 : i32
    %dma_start3A_50 = tpu.memref_slice %arg2[%dma_start3A_49, %dma_start3A_39, %mul3A_26] : memref<200x64x4096xf32, #tpu.memory_space<hbm>> -> memref<100x1x128xf32, #tpu.memory_space<hbm>>
    %dma_start3A_51 = tpu.memref_squeeze %dma_start3A_50 : memref<100x1x128xf32, #tpu.memory_space<hbm>> -> memref<100x128xf32, #tpu.memory_space<hbm>>
    tpu.enqueue_dma source(%dma_start3A_51 : memref<100x128xf32, #tpu.memory_space<hbm>>) target(%dma_start3A_48 : memref<100x128xf32, #tpu.memory_space<vmem>>) target_semaphore(%arg10 : memref<!tpu.dma_semaphore, #tpu.memory_space<semaphore_mem>>)
    %dma_start3A_52 = arith.constant 1 : i32
    %dma_start3A_53 = arith.constant 0 : i32
    %dma_start3A_54 = arith.constant 0 : i32
    %dma_start3A_55 = tpu.memref_slice %arg7[%dma_start3A_53, %dma_start3A_54] : memref<200x128xf32, #tpu.memory_space<vmem>> -> memref<100x128xf32, #tpu.memory_space<vmem>>
    %dma_start3A_56 = arith.constant 0 : i32
    %dma_start3A_57 = tpu.memref_slice %arg2[%dma_start3A_56, %dma_start3A_52, %mul3A_26] : memref<200x64x4096xf32, #tpu.memory_space<hbm>> -> memref<100x1x128xf32, #tpu.memory_space<hbm>>
    %dma_start3A_58 = tpu.memref_squeeze %dma_start3A_57 : memref<100x1x128xf32, #tpu.memory_space<hbm>> -> memref<100x128xf32, #tpu.memory_space<hbm>>
    %dma_start3A_59 = arith.constant 0 : i32
    %dma_start3A_60 = arith.constant 0 : i32
    %dma_start3A_61 = tpu.memref_slice %arg7[%dma_start3A_59, %dma_start3A_60] : memref<200x128xf32, #tpu.memory_space<vmem>> -> memref<100x128xf32, #tpu.memory_space<vmem>>
    %dma_start3A_62 = arith.constant 0 : i32
    %dma_start3A_63 = tpu.memref_slice %arg2[%dma_start3A_62, %dma_start3A_52, %mul3A_26] : memref<200x64x4096xf32, #tpu.memory_space<hbm>> -> memref<100x1x128xf32, #tpu.memory_space<hbm>>
    %dma_start3A_64 = tpu.memref_squeeze %dma_start3A_63 : memref<100x1x128xf32, #tpu.memory_space<hbm>> -> memref<100x128xf32, #tpu.memory_space<hbm>>
    tpu.enqueue_dma source(%dma_start3A_64 : memref<100x128xf32, #tpu.memory_space<hbm>>) target(%dma_start3A_61 : memref<100x128xf32, #tpu.memory_space<vmem>>) target_semaphore(%arg11 : memref<!tpu.dma_semaphore, #tpu.memory_space<semaphore_mem>>)
    %dma_start3A_65 = arith.constant 1 : i32
    %dma_start3A_66 = arith.constant 100 : i32
    %dma_start3A_67 = arith.constant 0 : i32
    %dma_start3A_68 = tpu.memref_slice %arg7[%dma_start3A_66, %dma_start3A_67] : memref<200x128xf32, #tpu.memory_space<vmem>> -> memref<100x128xf32, #tpu.memory_space<vmem>>
    %dma_start3A_69 = arith.constant 100 : i32
    %dma_start3A_70 = tpu.memref_slice %arg2[%dma_start3A_69, %dma_start3A_65, %mul3A_26] : memref<200x64x4096xf32, #tpu.memory_space<hbm>> -> memref<100x1x128xf32, #tpu.memory_space<hbm>>
    %dma_start3A_71 = tpu.memref_squeeze %dma_start3A_70 : memref<100x1x128xf32, #tpu.memory_space<hbm>> -> memref<100x128xf32, #tpu.memory_space<hbm>>
    %dma_start3A_72 = arith.constant 100 : i32
    %dma_start3A_73 = arith.constant 0 : i32
    %dma_start3A_74 = tpu.memref_slice %arg7[%dma_start3A_72, %dma_start3A_73] : memref<200x128xf32, #tpu.memory_space<vmem>> -> memref<100x128xf32, #tpu.memory_space<vmem>>
    %dma_start3A_75 = arith.constant 100 : i32
    %dma_start3A_76 = tpu.memref_slice %arg2[%dma_start3A_75, %dma_start3A_65, %mul3A_26] : memref<200x64x4096xf32, #tpu.memory_space<hbm>> -> memref<100x1x128xf32, #tpu.memory_space<hbm>>
    %dma_start3A_77 = tpu.memref_squeeze %dma_start3A_76 : memref<100x1x128xf32, #tpu.memory_space<hbm>> -> memref<100x128xf32, #tpu.memory_space<hbm>>
    tpu.enqueue_dma source(%dma_start3A_77 : memref<100x128xf32, #tpu.memory_space<hbm>>) target(%dma_start3A_74 : memref<100x128xf32, #tpu.memory_space<vmem>>) target_semaphore(%arg11 : memref<!tpu.dma_semaphore, #tpu.memory_space<semaphore_mem>>)
    %dma_wait3A = arith.constant 0 : i32
    %dma_wait3A_78 = arith.constant 0 : i32
    %dma_wait3A_79 = tpu.memref_slice %arg2[%dma_wait3A_78, %dma_wait3A, %mul3A_26] : memref<200x64x4096xf32, #tpu.memory_space<hbm>> -> memref<200x1x128xf32, #tpu.memory_space<hbm>>
    %dma_wait3A_80 = tpu.memref_squeeze %dma_wait3A_79 : memref<200x1x128xf32, #tpu.memory_space<hbm>> -> memref<200x128xf32, #tpu.memory_space<hbm>>
    %dma_wait3A_81 = arith.constant 0 : i32
    %dma_wait3A_82 = tpu.memref_slice %arg2[%dma_wait3A_81, %dma_wait3A, %mul3A_26] : memref<200x64x4096xf32, #tpu.memory_space<hbm>> -> memref<200x1x128xf32, #tpu.memory_space<hbm>>
    %dma_wait3A_83 = tpu.memref_squeeze %dma_wait3A_82 : memref<200x1x128xf32, #tpu.memory_space<hbm>> -> memref<200x128xf32, #tpu.memory_space<hbm>>
    tpu.wait_dma2 semaphore(%arg10 : memref<!tpu.dma_semaphore, #tpu.memory_space<semaphore_mem>>) src(%dma_wait3A_83 : memref<200x128xf32, #tpu.memory_space<hbm>>) dst(%arg6 : memref<200x128xf32, #tpu.memory_space<vmem>>)
    %scan3A = arith.constant 0 : i32
    %scan3A_84 = arith.constant 0 : i32
    %scan3A_85 = arith.constant 50 : i32
    %scan3A_86 = arith.addi %scan3A_84, %scan3A_85 : i32
    %scan3A_87 = arith.constant 1 : i32
    scf.for %scan3A_242 = %scan3A_84 to %scan3A_86 step %scan3A_87  : i32 {
      %get3A = arith.index_cast %scan3A_242 : i32 to index
      %get3A_243 = arith.constant 0 : index
      %get3A_244 = tpu.vector_load %arg5[%get3A, %get3A_243] {strides = array<i32>} : memref<50x128xi32, #tpu.memory_space<vmem>>, vector<16xi32>,
      %gather3A = tpu.vector_load_idx %arg6[%get3A_244, %add3A_3] : memref<200x128xf32, #tpu.memory_space<vmem>>[vector<16xi32>, vector<16xi32>], vector<16xf32>,
      %swap3A = arith.index_cast %scan3A_242 : i32 to index
      %swap3A_245 = arith.constant 0 : index
      %swap3A_246 = tpu.vector_load %arg8[%swap3A, %swap3A_245] {strides = array<i32>} : memref<50x128xf32, #tpu.memory_space<vmem>>, vector<16xf32>,
      tpu.vector_store %arg8[%swap3A, %swap3A_245], %gather3A {strides = array<i32>} : memref<50x128xf32, #tpu.memory_space<vmem>>, vector<16xf32>,
      %get3A_247 = arith.index_cast %scan3A_242 : i32 to index
      %get3A_248 = arith.constant 16 : index
      %get3A_249 = tpu.vector_load %arg5[%get3A_247, %get3A_248] {strides = array<i32>} : memref<50x128xi32, #tpu.memory_space<vmem>>, vector<16xi32>,
      %gather3A_250 = tpu.vector_load_idx %arg6[%get3A_249, %add3A_6] : memref<200x128xf32, #tpu.memory_space<vmem>>[vector<16xi32>, vector<16xi32>], vector<16xf32>,
      %swap3A_251 = arith.index_cast %scan3A_242 : i32 to index
      %swap3A_252 = arith.constant 16 : index
      %swap3A_253 = tpu.vector_load %arg8[%swap3A_251, %swap3A_252] {strides = array<i32>} : memref<50x128xf32, #tpu.memory_space<vmem>>, vector<16xf32>,
      tpu.vector_store %arg8[%swap3A_251, %swap3A_252], %gather3A_250 {strides = array<i32>} : memref<50x128xf32, #tpu.memory_space<vmem>>, vector<16xf32>,
      %get3A_254 = arith.index_cast %scan3A_242 : i32 to index
      %get3A_255 = arith.constant 32 : index
      %get3A_256 = tpu.vector_load %arg5[%get3A_254, %get3A_255] {strides = array<i32>} : memref<50x128xi32, #tpu.memory_space<vmem>>, vector<16xi32>,
      %gather3A_257 = tpu.vector_load_idx %arg6[%get3A_256, %add3A_9] : memref<200x128xf32, #tpu.memory_space<vmem>>[vector<16xi32>, vector<16xi32>], vector<16xf32>,
      %swap3A_258 = arith.index_cast %scan3A_242 : i32 to index
      %swap3A_259 = arith.constant 32 : index
      %swap3A_260 = tpu.vector_load %arg8[%swap3A_258, %swap3A_259] {strides = array<i32>} : memref<50x128xf32, #tpu.memory_space<vmem>>, vector<16xf32>,
      tpu.vector_store %arg8[%swap3A_258, %swap3A_259], %gather3A_257 {strides = array<i32>} : memref<50x128xf32, #tpu.memory_space<vmem>>, vector<16xf32>,
      %get3A_261 = arith.index_cast %scan3A_242 : i32 to index
      %get3A_262 = arith.constant 48 : index
      %get3A_263 = tpu.vector_load %arg5[%get3A_261, %get3A_262] {strides = array<i32>} : memref<50x128xi32, #tpu.memory_space<vmem>>, vector<16xi32>,
      %gather3A_264 = tpu.vector_load_idx %arg6[%get3A_263, %add3A_12] : memref<200x128xf32, #tpu.memory_space<vmem>>[vector<16xi32>, vector<16xi32>], vector<16xf32>,
      %swap3A_265 = arith.index_cast %scan3A_242 : i32 to index
      %swap3A_266 = arith.constant 48 : index
      %swap3A_267 = tpu.vector_load %arg8[%swap3A_265, %swap3A_266] {strides = array<i32>} : memref<50x128xf32, #tpu.memory_space<vmem>>, vector<16xf32>,
      tpu.vector_store %arg8[%swap3A_265, %swap3A_266], %gather3A_264 {strides = array<i32>} : memref<50x128xf32, #tpu.memory_space<vmem>>, vector<16xf32>,
      %get3A_268 = arith.index_cast %scan3A_242 : i32 to index
      %get3A_269 = arith.constant 64 : index
      %get3A_270 = tpu.vector_load %arg5[%get3A_268, %get3A_269] {strides = array<i32>} : memref<50x128xi32, #tpu.memory_space<vmem>>, vector<16xi32>,
      %gather3A_271 = tpu.vector_load_idx %arg6[%get3A_270, %add3A_15] : memref<200x128xf32, #tpu.memory_space<vmem>>[vector<16xi32>, vector<16xi32>], vector<16xf32>,
      %swap3A_272 = arith.index_cast %scan3A_242 : i32 to index
      %swap3A_273 = arith.constant 64 : index
      %swap3A_274 = tpu.vector_load %arg8[%swap3A_272, %swap3A_273] {strides = array<i32>} : memref<50x128xf32, #tpu.memory_space<vmem>>, vector<16xf32>,
      tpu.vector_store %arg8[%swap3A_272, %swap3A_273], %gather3A_271 {strides = array<i32>} : memref<50x128xf32, #tpu.memory_space<vmem>>, vector<16xf32>,
      %get3A_275 = arith.index_cast %scan3A_242 : i32 to index
      %get3A_276 = arith.constant 80 : index
      %get3A_277 = tpu.vector_load %arg5[%get3A_275, %get3A_276] {strides = array<i32>} : memref<50x128xi32, #tpu.memory_space<vmem>>, vector<16xi32>,
      %gather3A_278 = tpu.vector_load_idx %arg6[%get3A_277, %add3A_18] : memref<200x128xf32, #tpu.memory_space<vmem>>[vector<16xi32>, vector<16xi32>], vector<16xf32>,
      %swap3A_279 = arith.index_cast %scan3A_242 : i32 to index
      %swap3A_280 = arith.constant 80 : index
      %swap3A_281 = tpu.vector_load %arg8[%swap3A_279, %swap3A_280] {strides = array<i32>} : memref<50x128xf32, #tpu.memory_space<vmem>>, vector<16xf32>,
      tpu.vector_store %arg8[%swap3A_279, %swap3A_280], %gather3A_278 {strides = array<i32>} : memref<50x128xf32, #tpu.memory_space<vmem>>, vector<16xf32>,
      %get3A_282 = arith.index_cast %scan3A_242 : i32 to index
      %get3A_283 = arith.constant 96 : index
      %get3A_284 = tpu.vector_load %arg5[%get3A_282, %get3A_283] {strides = array<i32>} : memref<50x128xi32, #tpu.memory_space<vmem>>, vector<16xi32>,
      %gather3A_285 = tpu.vector_load_idx %arg6[%get3A_284, %add3A_21] : memref<200x128xf32, #tpu.memory_space<vmem>>[vector<16xi32>, vector<16xi32>], vector<16xf32>,
      %swap3A_286 = arith.index_cast %scan3A_242 : i32 to index
      %swap3A_287 = arith.constant 96 : index
      %swap3A_288 = tpu.vector_load %arg8[%swap3A_286, %swap3A_287] {strides = array<i32>} : memref<50x128xf32, #tpu.memory_space<vmem>>, vector<16xf32>,
      tpu.vector_store %arg8[%swap3A_286, %swap3A_287], %gather3A_285 {strides = array<i32>} : memref<50x128xf32, #tpu.memory_space<vmem>>, vector<16xf32>,
      %get3A_289 = arith.index_cast %scan3A_242 : i32 to index
      %get3A_290 = arith.constant 112 : index
      %get3A_291 = tpu.vector_load %arg5[%get3A_289, %get3A_290] {strides = array<i32>} : memref<50x128xi32, #tpu.memory_space<vmem>>, vector<16xi32>,
      %gather3A_292 = tpu.vector_load_idx %arg6[%get3A_291, %add3A_24] : memref<200x128xf32, #tpu.memory_space<vmem>>[vector<16xi32>, vector<16xi32>], vector<16xf32>,
      %swap3A_293 = arith.index_cast %scan3A_242 : i32 to index
      %swap3A_294 = arith.constant 112 : index
      %swap3A_295 = tpu.vector_load %arg8[%swap3A_293, %swap3A_294] {strides = array<i32>} : memref<50x128xf32, #tpu.memory_space<vmem>>, vector<16xf32>,
      tpu.vector_store %arg8[%swap3A_293, %swap3A_294], %gather3A_292 {strides = array<i32>} : memref<50x128xf32, #tpu.memory_space<vmem>>, vector<16xf32>,
    }
    %scan3A_88 = arith.constant 50 : i32
    %dma_start3A_89 = arith.constant 0 : i32
    %dma_start3A_90 = arith.constant 0 : i32
    %dma_start3A_91 = tpu.memref_slice %arg4[%dma_start3A_90, %dma_start3A_89, %mul3A_26] : memref<50x64x4096xf32, #tpu.memory_space<hbm>> -> memref<50x1x128xf32, #tpu.memory_space<hbm>>
    %dma_start3A_92 = tpu.memref_squeeze %dma_start3A_91 : memref<50x1x128xf32, #tpu.memory_space<hbm>> -> memref<50x128xf32, #tpu.memory_space<hbm>>
    %dma_start3A_93 = arith.constant 0 : i32
    %dma_start3A_94 = tpu.memref_slice %arg4[%dma_start3A_93, %dma_start3A_89, %mul3A_26] : memref<50x64x4096xf32, #tpu.memory_space<hbm>> -> memref<50x1x128xf32, #tpu.memory_space<hbm>>
    %dma_start3A_95 = tpu.memref_squeeze %dma_start3A_94 : memref<50x1x128xf32, #tpu.memory_space<hbm>> -> memref<50x128xf32, #tpu.memory_space<hbm>>
    tpu.enqueue_dma source(%arg8 : memref<50x128xf32, #tpu.memory_space<vmem>>) target(%dma_start3A_95 : memref<50x128xf32, #tpu.memory_space<hbm>>) target_semaphore(%arg12 : memref<!tpu.dma_semaphore, #tpu.memory_space<semaphore_mem>>)
    %dma_start3A_96 = arith.constant 2 : i32
    %dma_start3A_97 = arith.constant 0 : i32
    %dma_start3A_98 = arith.constant 0 : i32
    %dma_start3A_99 = tpu.memref_slice %arg6[%dma_start3A_97, %dma_start3A_98] : memref<200x128xf32, #tpu.memory_space<vmem>> -> memref<100x128xf32, #tpu.memory_space<vmem>>
    %dma_start3A_100 = arith.constant 0 : i32
    %dma_start3A_101 = tpu.memref_slice %arg2[%dma_start3A_100, %dma_start3A_96, %mul3A_26] : memref<200x64x4096xf32, #tpu.memory_space<hbm>> -> memref<100x1x128xf32, #tpu.memory_space<hbm>>
    %dma_start3A_102 = tpu.memref_squeeze %dma_start3A_101 : memref<100x1x128xf32, #tpu.memory_space<hbm>> -> memref<100x128xf32, #tpu.memory_space<hbm>>
    %dma_start3A_103 = arith.constant 0 : i32
    %dma_start3A_104 = arith.constant 0 : i32
    %dma_start3A_105 = tpu.memref_slice %arg6[%dma_start3A_103, %dma_start3A_104] : memref<200x128xf32, #tpu.memory_space<vmem>> -> memref<100x128xf32, #tpu.memory_space<vmem>>
    %dma_start3A_106 = arith.constant 0 : i32
    %dma_start3A_107 = tpu.memref_slice %arg2[%dma_start3A_106, %dma_start3A_96, %mul3A_26] : memref<200x64x4096xf32, #tpu.memory_space<hbm>> -> memref<100x1x128xf32, #tpu.memory_space<hbm>>
    %dma_start3A_108 = tpu.memref_squeeze %dma_start3A_107 : memref<100x1x128xf32, #tpu.memory_space<hbm>> -> memref<100x128xf32, #tpu.memory_space<hbm>>
    tpu.enqueue_dma source(%dma_start3A_108 : memref<100x128xf32, #tpu.memory_space<hbm>>) target(%dma_start3A_105 : memref<100x128xf32, #tpu.memory_space<vmem>>) target_semaphore(%arg10 : memref<!tpu.dma_semaphore, #tpu.memory_space<semaphore_mem>>)
    %dma_start3A_109 = arith.constant 2 : i32
    %dma_start3A_110 = arith.constant 100 : i32
    %dma_start3A_111 = arith.constant 0 : i32
    %dma_start3A_112 = tpu.memref_slice %arg6[%dma_start3A_110, %dma_start3A_111] : memref<200x128xf32, #tpu.memory_space<vmem>> -> memref<100x128xf32, #tpu.memory_space<vmem>>
    %dma_start3A_113 = arith.constant 100 : i32
    %dma_start3A_114 = tpu.memref_slice %arg2[%dma_start3A_113, %dma_start3A_109, %mul3A_26] : memref<200x64x4096xf32, #tpu.memory_space<hbm>> -> memref<100x1x128xf32, #tpu.memory_space<hbm>>
    %dma_start3A_115 = tpu.memref_squeeze %dma_start3A_114 : memref<100x1x128xf32, #tpu.memory_space<hbm>> -> memref<100x128xf32, #tpu.memory_space<hbm>>
    %dma_start3A_116 = arith.constant 100 : i32
    %dma_start3A_117 = arith.constant 0 : i32
    %dma_start3A_118 = tpu.memref_slice %arg6[%dma_start3A_116, %dma_start3A_117] : memref<200x128xf32, #tpu.memory_space<vmem>> -> memref<100x128xf32, #tpu.memory_space<vmem>>
    %dma_start3A_119 = arith.constant 100 : i32
    %dma_start3A_120 = tpu.memref_slice %arg2[%dma_start3A_119, %dma_start3A_109, %mul3A_26] : memref<200x64x4096xf32, #tpu.memory_space<hbm>> -> memref<100x1x128xf32, #tpu.memory_space<hbm>>
    %dma_start3A_121 = tpu.memref_squeeze %dma_start3A_120 : memref<100x1x128xf32, #tpu.memory_space<hbm>> -> memref<100x128xf32, #tpu.memory_space<hbm>>
    tpu.enqueue_dma source(%dma_start3A_121 : memref<100x128xf32, #tpu.memory_space<hbm>>) target(%dma_start3A_118 : memref<100x128xf32, #tpu.memory_space<vmem>>) target_semaphore(%arg10 : memref<!tpu.dma_semaphore, #tpu.memory_space<semaphore_mem>>)
    %dma_wait3A_122 = arith.constant 0 : i32
    %dma_wait3A_123 = arith.constant 0 : i32
    %dma_wait3A_124 = tpu.memref_slice %arg2[%dma_wait3A_123, %dma_wait3A_122, %mul3A_26] : memref<200x64x4096xf32, #tpu.memory_space<hbm>> -> memref<200x1x128xf32, #tpu.memory_space<hbm>>
    %dma_wait3A_125 = tpu.memref_squeeze %dma_wait3A_124 : memref<200x1x128xf32, #tpu.memory_space<hbm>> -> memref<200x128xf32, #tpu.memory_space<hbm>>
    %dma_wait3A_126 = arith.constant 0 : i32
    %dma_wait3A_127 = tpu.memref_slice %arg2[%dma_wait3A_126, %dma_wait3A_122, %mul3A_26] : memref<200x64x4096xf32, #tpu.memory_space<hbm>> -> memref<200x1x128xf32, #tpu.memory_space<hbm>>
    %dma_wait3A_128 = tpu.memref_squeeze %dma_wait3A_127 : memref<200x1x128xf32, #tpu.memory_space<hbm>> -> memref<200x128xf32, #tpu.memory_space<hbm>>
    tpu.wait_dma2 semaphore(%arg11 : memref<!tpu.dma_semaphore, #tpu.memory_space<semaphore_mem>>) src(%dma_wait3A_128 : memref<200x128xf32, #tpu.memory_space<hbm>>) dst(%arg7 : memref<200x128xf32, #tpu.memory_space<vmem>>)
    %scan3A_129 = arith.constant 0 : i32
    %scan3A_130 = arith.constant 0 : i32
    %scan3A_131 = arith.constant 50 : i32
    %scan3A_132 = arith.addi %scan3A_130, %scan3A_131 : i32
    %scan3A_133 = arith.constant 1 : i32
    scf.for %scan3A_242 = %scan3A_130 to %scan3A_132 step %scan3A_133  : i32 {
      %get3A = arith.index_cast %scan3A_242 : i32 to index
      %get3A_243 = arith.constant 0 : index
      %get3A_244 = tpu.vector_load %arg5[%get3A, %get3A_243] {strides = array<i32>} : memref<50x128xi32, #tpu.memory_space<vmem>>, vector<16xi32>,
      %gather3A = tpu.vector_load_idx %arg7[%get3A_244, %add3A_3] : memref<200x128xf32, #tpu.memory_space<vmem>>[vector<16xi32>, vector<16xi32>], vector<16xf32>,
      %swap3A = arith.index_cast %scan3A_242 : i32 to index
      %swap3A_245 = arith.constant 0 : index
      %swap3A_246 = tpu.vector_load %arg9[%swap3A, %swap3A_245] {strides = array<i32>} : memref<50x128xf32, #tpu.memory_space<vmem>>, vector<16xf32>,
      tpu.vector_store %arg9[%swap3A, %swap3A_245], %gather3A {strides = array<i32>} : memref<50x128xf32, #tpu.memory_space<vmem>>, vector<16xf32>,
      %get3A_247 = arith.index_cast %scan3A_242 : i32 to index
      %get3A_248 = arith.constant 16 : index
      %get3A_249 = tpu.vector_load %arg5[%get3A_247, %get3A_248] {strides = array<i32>} : memref<50x128xi32, #tpu.memory_space<vmem>>, vector<16xi32>,
      %gather3A_250 = tpu.vector_load_idx %arg7[%get3A_249, %add3A_6] : memref<200x128xf32, #tpu.memory_space<vmem>>[vector<16xi32>, vector<16xi32>], vector<16xf32>,
      %swap3A_251 = arith.index_cast %scan3A_242 : i32 to index
      %swap3A_252 = arith.constant 16 : index
      %swap3A_253 = tpu.vector_load %arg9[%swap3A_251, %swap3A_252] {strides = array<i32>} : memref<50x128xf32, #tpu.memory_space<vmem>>, vector<16xf32>,
      tpu.vector_store %arg9[%swap3A_251, %swap3A_252], %gather3A_250 {strides = array<i32>} : memref<50x128xf32, #tpu.memory_space<vmem>>, vector<16xf32>,
      %get3A_254 = arith.index_cast %scan3A_242 : i32 to index
      %get3A_255 = arith.constant 32 : index
      %get3A_256 = tpu.vector_load %arg5[%get3A_254, %get3A_255] {strides = array<i32>} : memref<50x128xi32, #tpu.memory_space<vmem>>, vector<16xi32>,
      %gather3A_257 = tpu.vector_load_idx %arg7[%get3A_256, %add3A_9] : memref<200x128xf32, #tpu.memory_space<vmem>>[vector<16xi32>, vector<16xi32>], vector<16xf32>,
      %swap3A_258 = arith.index_cast %scan3A_242 : i32 to index
      %swap3A_259 = arith.constant 32 : index
      %swap3A_260 = tpu.vector_load %arg9[%swap3A_258, %swap3A_259] {strides = array<i32>} : memref<50x128xf32, #tpu.memory_space<vmem>>, vector<16xf32>,
      tpu.vector_store %arg9[%swap3A_258, %swap3A_259], %gather3A_257 {strides = array<i32>} : memref<50x128xf32, #tpu.memory_space<vmem>>, vector<16xf32>,
      %get3A_261 = arith.index_cast %scan3A_242 : i32 to index
      %get3A_262 = arith.constant 48 : index
      %get3A_263 = tpu.vector_load %arg5[%get3A_261, %get3A_262] {strides = array<i32>} : memref<50x128xi32, #tpu.memory_space<vmem>>, vector<16xi32>,
      %gather3A_264 = tpu.vector_load_idx %arg7[%get3A_263, %add3A_12] : memref<200x128xf32, #tpu.memory_space<vmem>>[vector<16xi32>, vector<16xi32>], vector<16xf32>,
      %swap3A_265 = arith.index_cast %scan3A_242 : i32 to index
      %swap3A_266 = arith.constant 48 : index
      %swap3A_267 = tpu.vector_load %arg9[%swap3A_265, %swap3A_266] {strides = array<i32>} : memref<50x128xf32, #tpu.memory_space<vmem>>, vector<16xf32>,
      tpu.vector_store %arg9[%swap3A_265, %swap3A_266], %gather3A_264 {strides = array<i32>} : memref<50x128xf32, #tpu.memory_space<vmem>>, vector<16xf32>,
      %get3A_268 = arith.index_cast %scan3A_242 : i32 to index
      %get3A_269 = arith.constant 64 : index
      %get3A_270 = tpu.vector_load %arg5[%get3A_268, %get3A_269] {strides = array<i32>} : memref<50x128xi32, #tpu.memory_space<vmem>>, vector<16xi32>,
      %gather3A_271 = tpu.vector_load_idx %arg7[%get3A_270, %add3A_15] : memref<200x128xf32, #tpu.memory_space<vmem>>[vector<16xi32>, vector<16xi32>], vector<16xf32>,
      %swap3A_272 = arith.index_cast %scan3A_242 : i32 to index
      %swap3A_273 = arith.constant 64 : index
      %swap3A_274 = tpu.vector_load %arg9[%swap3A_272, %swap3A_273] {strides = array<i32>} : memref<50x128xf32, #tpu.memory_space<vmem>>, vector<16xf32>,
      tpu.vector_store %arg9[%swap3A_272, %swap3A_273], %gather3A_271 {strides = array<i32>} : memref<50x128xf32, #tpu.memory_space<vmem>>, vector<16xf32>,
      %get3A_275 = arith.index_cast %scan3A_242 : i32 to index
      %get3A_276 = arith.constant 80 : index
      %get3A_277 = tpu.vector_load %arg5[%get3A_275, %get3A_276] {strides = array<i32>} : memref<50x128xi32, #tpu.memory_space<vmem>>, vector<16xi32>,
      %gather3A_278 = tpu.vector_load_idx %arg7[%get3A_277, %add3A_18] : memref<200x128xf32, #tpu.memory_space<vmem>>[vector<16xi32>, vector<16xi32>], vector<16xf32>,
      %swap3A_279 = arith.index_cast %scan3A_242 : i32 to index
      %swap3A_280 = arith.constant 80 : index
      %swap3A_281 = tpu.vector_load %arg9[%swap3A_279, %swap3A_280] {strides = array<i32>} : memref<50x128xf32, #tpu.memory_space<vmem>>, vector<16xf32>,
      tpu.vector_store %arg9[%swap3A_279, %swap3A_280], %gather3A_278 {strides = array<i32>} : memref<50x128xf32, #tpu.memory_space<vmem>>, vector<16xf32>,
      %get3A_282 = arith.index_cast %scan3A_242 : i32 to index
      %get3A_283 = arith.constant 96 : index
      %get3A_284 = tpu.vector_load %arg5[%get3A_282, %get3A_283] {strides = array<i32>} : memref<50x128xi32, #tpu.memory_space<vmem>>, vector<16xi32>,
      %gather3A_285 = tpu.vector_load_idx %arg7[%get3A_284, %add3A_21] : memref<200x128xf32, #tpu.memory_space<vmem>>[vector<16xi32>, vector<16xi32>], vector<16xf32>,
      %swap3A_286 = arith.index_cast %scan3A_242 : i32 to index
      %swap3A_287 = arith.constant 96 : index
      %swap3A_288 = tpu.vector_load %arg9[%swap3A_286, %swap3A_287] {strides = array<i32>} : memref<50x128xf32, #tpu.memory_space<vmem>>, vector<16xf32>,
      tpu.vector_store %arg9[%swap3A_286, %swap3A_287], %gather3A_285 {strides = array<i32>} : memref<50x128xf32, #tpu.memory_space<vmem>>, vector<16xf32>,
      %get3A_289 = arith.index_cast %scan3A_242 : i32 to index
      %get3A_290 = arith.constant 112 : index
      %get3A_291 = tpu.vector_load %arg5[%get3A_289, %get3A_290] {strides = array<i32>} : memref<50x128xi32, #tpu.memory_space<vmem>>, vector<16xi32>,
      %gather3A_292 = tpu.vector_load_idx %arg7[%get3A_291, %add3A_24] : memref<200x128xf32, #tpu.memory_space<vmem>>[vector<16xi32>, vector<16xi32>], vector<16xf32>,
      %swap3A_293 = arith.index_cast %scan3A_242 : i32 to index
      %swap3A_294 = arith.constant 112 : index
      %swap3A_295 = tpu.vector_load %arg9[%swap3A_293, %swap3A_294] {strides = array<i32>} : memref<50x128xf32, #tpu.memory_space<vmem>>, vector<16xf32>,
      tpu.vector_store %arg9[%swap3A_293, %swap3A_294], %gather3A_292 {strides = array<i32>} : memref<50x128xf32, #tpu.memory_space<vmem>>, vector<16xf32>,
    }
    %scan3A_134 = arith.constant 50 : i32
    %dma_start3A_135 = arith.constant 1 : i32
    %dma_start3A_136 = arith.constant 0 : i32
    %dma_start3A_137 = tpu.memref_slice %arg4[%dma_start3A_136, %dma_start3A_135, %mul3A_26] : memref<50x64x4096xf32, #tpu.memory_space<hbm>> -> memref<50x1x128xf32, #tpu.memory_space<hbm>>
    %dma_start3A_138 = tpu.memref_squeeze %dma_start3A_137 : memref<50x1x128xf32, #tpu.memory_space<hbm>> -> memref<50x128xf32, #tpu.memory_space<hbm>>
    %dma_start3A_139 = arith.constant 0 : i32
    %dma_start3A_140 = tpu.memref_slice %arg4[%dma_start3A_139, %dma_start3A_135, %mul3A_26] : memref<50x64x4096xf32, #tpu.memory_space<hbm>> -> memref<50x1x128xf32, #tpu.memory_space<hbm>>
    %dma_start3A_141 = tpu.memref_squeeze %dma_start3A_140 : memref<50x1x128xf32, #tpu.memory_space<hbm>> -> memref<50x128xf32, #tpu.memory_space<hbm>>
    tpu.enqueue_dma source(%arg9 : memref<50x128xf32, #tpu.memory_space<vmem>>) target(%dma_start3A_141 : memref<50x128xf32, #tpu.memory_space<hbm>>) target_semaphore(%arg13 : memref<!tpu.dma_semaphore, #tpu.memory_space<semaphore_mem>>)
    %dma_start3A_142 = arith.constant 3 : i32
    %dma_start3A_143 = arith.constant 0 : i32
    %dma_start3A_144 = arith.constant 0 : i32
    %dma_start3A_145 = tpu.memref_slice %arg7[%dma_start3A_143, %dma_start3A_144] : memref<200x128xf32, #tpu.memory_space<vmem>> -> memref<100x128xf32, #tpu.memory_space<vmem>>
    %dma_start3A_146 = arith.constant 0 : i32
    %dma_start3A_147 = tpu.memref_slice %arg2[%dma_start3A_146, %dma_start3A_142, %mul3A_26] : memref<200x64x4096xf32, #tpu.memory_space<hbm>> -> memref<100x1x128xf32, #tpu.memory_space<hbm>>
    %dma_start3A_148 = tpu.memref_squeeze %dma_start3A_147 : memref<100x1x128xf32, #tpu.memory_space<hbm>> -> memref<100x128xf32, #tpu.memory_space<hbm>>
    %dma_start3A_149 = arith.constant 0 : i32
    %dma_start3A_150 = arith.constant 0 : i32
    %dma_start3A_151 = tpu.memref_slice %arg7[%dma_start3A_149, %dma_start3A_150] : memref<200x128xf32, #tpu.memory_space<vmem>> -> memref<100x128xf32, #tpu.memory_space<vmem>>
    %dma_start3A_152 = arith.constant 0 : i32
    %dma_start3A_153 = tpu.memref_slice %arg2[%dma_start3A_152, %dma_start3A_142, %mul3A_26] : memref<200x64x4096xf32, #tpu.memory_space<hbm>> -> memref<100x1x128xf32, #tpu.memory_space<hbm>>
    %dma_start3A_154 = tpu.memref_squeeze %dma_start3A_153 : memref<100x1x128xf32, #tpu.memory_space<hbm>> -> memref<100x128xf32, #tpu.memory_space<hbm>>
    tpu.enqueue_dma source(%dma_start3A_154 : memref<100x128xf32, #tpu.memory_space<hbm>>) target(%dma_start3A_151 : memref<100x128xf32, #tpu.memory_space<vmem>>) target_semaphore(%arg11 : memref<!tpu.dma_semaphore, #tpu.memory_space<semaphore_mem>>)
    %dma_start3A_155 = arith.constant 3 : i32
    %dma_start3A_156 = arith.constant 100 : i32
    %dma_start3A_157 = arith.constant 0 : i32
    %dma_start3A_158 = tpu.memref_slice %arg7[%dma_start3A_156, %dma_start3A_157] : memref<200x128xf32, #tpu.memory_space<vmem>> -> memref<100x128xf32, #tpu.memory_space<vmem>>
    %dma_start3A_159 = arith.constant 100 : i32
    %dma_start3A_160 = tpu.memref_slice %arg2[%dma_start3A_159, %dma_start3A_155, %mul3A_26] : memref<200x64x4096xf32, #tpu.memory_space<hbm>> -> memref<100x1x128xf32, #tpu.memory_space<hbm>>
    %dma_start3A_161 = tpu.memref_squeeze %dma_start3A_160 : memref<100x1x128xf32, #tpu.memory_space<hbm>> -> memref<100x128xf32, #tpu.memory_space<hbm>>
    %dma_start3A_162 = arith.constant 100 : i32
    %dma_start3A_163 = arith.constant 0 : i32
    %dma_start3A_164 = tpu.memref_slice %arg7[%dma_start3A_162, %dma_start3A_163] : memref<200x128xf32, #tpu.memory_space<vmem>> -> memref<100x128xf32, #tpu.memory_space<vmem>>
    %dma_start3A_165 = arith.constant 100 : i32
    %dma_start3A_166 = tpu.memref_slice %arg2[%dma_start3A_165, %dma_start3A_155, %mul3A_26] : memref<200x64x4096xf32, #tpu.memory_space<hbm>> -> memref<100x1x128xf32, #tpu.memory_space<hbm>>
    %dma_start3A_167 = tpu.memref_squeeze %dma_start3A_166 : memref<100x1x128xf32, #tpu.memory_space<hbm>> -> memref<100x128xf32, #tpu.memory_space<hbm>>
    tpu.enqueue_dma source(%dma_start3A_167 : memref<100x128xf32, #tpu.memory_space<hbm>>) target(%dma_start3A_164 : memref<100x128xf32, #tpu.memory_space<vmem>>) target_semaphore(%arg11 : memref<!tpu.dma_semaphore, #tpu.memory_space<semaphore_mem>>)
    %scan3A_168 = arith.constant 0 : i32
    %scan3A_169 = arith.constant 1 : i32
    %scan3A_170 = arith.constant 30 : i32
    %scan3A_171 = arith.addi %scan3A_169, %scan3A_170 : i32
    %scan3A_172 = arith.constant 1 : i32
    scf.for %scan3A_242 = %scan3A_169 to %scan3A_171 step %scan3A_172  : i32 {
      %mul3A_243 = arith.constant 2 : i32
      %mul3A_244 = arith.muli %mul3A_243, %scan3A_242 : i32
      %add3A_245 = arith.constant 0 : i32
      %add3A_246 = arith.addi %mul3A_244, %add3A_245 : i32
      %dma_wait3A_247 = arith.constant 0 : i32
      %dma_wait3A_248 = arith.constant 0 : i32
      %dma_wait3A_249 = tpu.memref_slice %arg2[%dma_wait3A_248, %dma_wait3A_247, %mul3A_26] : memref<200x64x4096xf32, #tpu.memory_space<hbm>> -> memref<200x1x128xf32, #tpu.memory_space<hbm>>
      %dma_wait3A_250 = tpu.memref_squeeze %dma_wait3A_249 : memref<200x1x128xf32, #tpu.memory_space<hbm>> -> memref<200x128xf32, #tpu.memory_space<hbm>>
      %dma_wait3A_251 = arith.constant 0 : i32
      %dma_wait3A_252 = tpu.memref_slice %arg2[%dma_wait3A_251, %dma_wait3A_247, %mul3A_26] : memref<200x64x4096xf32, #tpu.memory_space<hbm>> -> memref<200x1x128xf32, #tpu.memory_space<hbm>>
      %dma_wait3A_253 = tpu.memref_squeeze %dma_wait3A_252 : memref<200x1x128xf32, #tpu.memory_space<hbm>> -> memref<200x128xf32, #tpu.memory_space<hbm>>
      tpu.wait_dma2 semaphore(%arg10 : memref<!tpu.dma_semaphore, #tpu.memory_space<semaphore_mem>>) src(%dma_wait3A_253 : memref<200x128xf32, #tpu.memory_space<hbm>>) dst(%arg6 : memref<200x128xf32, #tpu.memory_space<vmem>>)
      %dma_wait3A_254 = arith.constant 0 : i32
      %dma_wait3A_255 = arith.constant 0 : i32
      %dma_wait3A_256 = tpu.memref_slice %arg4[%dma_wait3A_255, %dma_wait3A_254, %mul3A_26] : memref<50x64x4096xf32, #tpu.memory_space<hbm>> -> memref<50x1x128xf32, #tpu.memory_space<hbm>>
      %dma_wait3A_257 = tpu.memref_squeeze %dma_wait3A_256 : memref<50x1x128xf32, #tpu.memory_space<hbm>> -> memref<50x128xf32, #tpu.memory_space<hbm>>
      %dma_wait3A_258 = arith.constant 0 : i32
      %dma_wait3A_259 = tpu.memref_slice %arg4[%dma_wait3A_258, %dma_wait3A_254, %mul3A_26] : memref<50x64x4096xf32, #tpu.memory_space<hbm>> -> memref<50x1x128xf32, #tpu.memory_space<hbm>>
      %dma_wait3A_260 = tpu.memref_squeeze %dma_wait3A_259 : memref<50x1x128xf32, #tpu.memory_space<hbm>> -> memref<50x128xf32, #tpu.memory_space<hbm>>
      tpu.wait_dma2 semaphore(%arg12 : memref<!tpu.dma_semaphore, #tpu.memory_space<semaphore_mem>>) src(%arg8 : memref<50x128xf32, #tpu.memory_space<vmem>>) dst(%dma_wait3A_260 : memref<50x128xf32, #tpu.memory_space<hbm>>)
      %scan3A_261 = arith.constant 0 : i32
      %scan3A_262 = arith.constant 0 : i32
      %scan3A_263 = arith.constant 50 : i32
      %scan3A_264 = arith.addi %scan3A_262, %scan3A_263 : i32
      %scan3A_265 = arith.constant 1 : i32
      scf.for %scan3A_355 = %scan3A_262 to %scan3A_264 step %scan3A_265  : i32 {
        %get3A = arith.index_cast %scan3A_355 : i32 to index
        %get3A_356 = arith.constant 0 : index
        %get3A_357 = tpu.vector_load %arg5[%get3A, %get3A_356] {strides = array<i32>} : memref<50x128xi32, #tpu.memory_space<vmem>>, vector<16xi32>,
        %gather3A = tpu.vector_load_idx %arg6[%get3A_357, %add3A_3] : memref<200x128xf32, #tpu.memory_space<vmem>>[vector<16xi32>, vector<16xi32>], vector<16xf32>,
        %swap3A = arith.index_cast %scan3A_355 : i32 to index
        %swap3A_358 = arith.constant 0 : index
        %swap3A_359 = tpu.vector_load %arg8[%swap3A, %swap3A_358] {strides = array<i32>} : memref<50x128xf32, #tpu.memory_space<vmem>>, vector<16xf32>,
        tpu.vector_store %arg8[%swap3A, %swap3A_358], %gather3A {strides = array<i32>} : memref<50x128xf32, #tpu.memory_space<vmem>>, vector<16xf32>,
        %get3A_360 = arith.index_cast %scan3A_355 : i32 to index
        %get3A_361 = arith.constant 16 : index
        %get3A_362 = tpu.vector_load %arg5[%get3A_360, %get3A_361] {strides = array<i32>} : memref<50x128xi32, #tpu.memory_space<vmem>>, vector<16xi32>,
        %gather3A_363 = tpu.vector_load_idx %arg6[%get3A_362, %add3A_6] : memref<200x128xf32, #tpu.memory_space<vmem>>[vector<16xi32>, vector<16xi32>], vector<16xf32>,
        %swap3A_364 = arith.index_cast %scan3A_355 : i32 to index
        %swap3A_365 = arith.constant 16 : index
        %swap3A_366 = tpu.vector_load %arg8[%swap3A_364, %swap3A_365] {strides = array<i32>} : memref<50x128xf32, #tpu.memory_space<vmem>>, vector<16xf32>,
        tpu.vector_store %arg8[%swap3A_364, %swap3A_365], %gather3A_363 {strides = array<i32>} : memref<50x128xf32, #tpu.memory_space<vmem>>, vector<16xf32>,
        %get3A_367 = arith.index_cast %scan3A_355 : i32 to index
        %get3A_368 = arith.constant 32 : index
        %get3A_369 = tpu.vector_load %arg5[%get3A_367, %get3A_368] {strides = array<i32>} : memref<50x128xi32, #tpu.memory_space<vmem>>, vector<16xi32>,
        %gather3A_370 = tpu.vector_load_idx %arg6[%get3A_369, %add3A_9] : memref<200x128xf32, #tpu.memory_space<vmem>>[vector<16xi32>, vector<16xi32>], vector<16xf32>,
        %swap3A_371 = arith.index_cast %scan3A_355 : i32 to index
        %swap3A_372 = arith.constant 32 : index
        %swap3A_373 = tpu.vector_load %arg8[%swap3A_371, %swap3A_372] {strides = array<i32>} : memref<50x128xf32, #tpu.memory_space<vmem>>, vector<16xf32>,
        tpu.vector_store %arg8[%swap3A_371, %swap3A_372], %gather3A_370 {strides = array<i32>} : memref<50x128xf32, #tpu.memory_space<vmem>>, vector<16xf32>,
        %get3A_374 = arith.index_cast %scan3A_355 : i32 to index
        %get3A_375 = arith.constant 48 : index
        %get3A_376 = tpu.vector_load %arg5[%get3A_374, %get3A_375] {strides = array<i32>} : memref<50x128xi32, #tpu.memory_space<vmem>>, vector<16xi32>,
        %gather3A_377 = tpu.vector_load_idx %arg6[%get3A_376, %add3A_12] : memref<200x128xf32, #tpu.memory_space<vmem>>[vector<16xi32>, vector<16xi32>], vector<16xf32>,
        %swap3A_378 = arith.index_cast %scan3A_355 : i32 to index
        %swap3A_379 = arith.constant 48 : index
        %swap3A_380 = tpu.vector_load %arg8[%swap3A_378, %swap3A_379] {strides = array<i32>} : memref<50x128xf32, #tpu.memory_space<vmem>>, vector<16xf32>,
        tpu.vector_store %arg8[%swap3A_378, %swap3A_379], %gather3A_377 {strides = array<i32>} : memref<50x128xf32, #tpu.memory_space<vmem>>, vector<16xf32>,
        %get3A_381 = arith.index_cast %scan3A_355 : i32 to index
        %get3A_382 = arith.constant 64 : index
        %get3A_383 = tpu.vector_load %arg5[%get3A_381, %get3A_382] {strides = array<i32>} : memref<50x128xi32, #tpu.memory_space<vmem>>, vector<16xi32>,
        %gather3A_384 = tpu.vector_load_idx %arg6[%get3A_383, %add3A_15] : memref<200x128xf32, #tpu.memory_space<vmem>>[vector<16xi32>, vector<16xi32>], vector<16xf32>,
        %swap3A_385 = arith.index_cast %scan3A_355 : i32 to index
        %swap3A_386 = arith.constant 64 : index
        %swap3A_387 = tpu.vector_load %arg8[%swap3A_385, %swap3A_386] {strides = array<i32>} : memref<50x128xf32, #tpu.memory_space<vmem>>, vector<16xf32>,
        tpu.vector_store %arg8[%swap3A_385, %swap3A_386], %gather3A_384 {strides = array<i32>} : memref<50x128xf32, #tpu.memory_space<vmem>>, vector<16xf32>,
        %get3A_388 = arith.index_cast %scan3A_355 : i32 to index
        %get3A_389 = arith.constant 80 : index
        %get3A_390 = tpu.vector_load %arg5[%get3A_388, %get3A_389] {strides = array<i32>} : memref<50x128xi32, #tpu.memory_space<vmem>>, vector<16xi32>,
        %gather3A_391 = tpu.vector_load_idx %arg6[%get3A_390, %add3A_18] : memref<200x128xf32, #tpu.memory_space<vmem>>[vector<16xi32>, vector<16xi32>], vector<16xf32>,
        %swap3A_392 = arith.index_cast %scan3A_355 : i32 to index
        %swap3A_393 = arith.constant 80 : index
        %swap3A_394 = tpu.vector_load %arg8[%swap3A_392, %swap3A_393] {strides = array<i32>} : memref<50x128xf32, #tpu.memory_space<vmem>>, vector<16xf32>,
        tpu.vector_store %arg8[%swap3A_392, %swap3A_393], %gather3A_391 {strides = array<i32>} : memref<50x128xf32, #tpu.memory_space<vmem>>, vector<16xf32>,
        %get3A_395 = arith.index_cast %scan3A_355 : i32 to index
        %get3A_396 = arith.constant 96 : index
        %get3A_397 = tpu.vector_load %arg5[%get3A_395, %get3A_396] {strides = array<i32>} : memref<50x128xi32, #tpu.memory_space<vmem>>, vector<16xi32>,
        %gather3A_398 = tpu.vector_load_idx %arg6[%get3A_397, %add3A_21] : memref<200x128xf32, #tpu.memory_space<vmem>>[vector<16xi32>, vector<16xi32>], vector<16xf32>,
        %swap3A_399 = arith.index_cast %scan3A_355 : i32 to index
        %swap3A_400 = arith.constant 96 : index
        %swap3A_401 = tpu.vector_load %arg8[%swap3A_399, %swap3A_400] {strides = array<i32>} : memref<50x128xf32, #tpu.memory_space<vmem>>, vector<16xf32>,
        tpu.vector_store %arg8[%swap3A_399, %swap3A_400], %gather3A_398 {strides = array<i32>} : memref<50x128xf32, #tpu.memory_space<vmem>>, vector<16xf32>,
        %get3A_402 = arith.index_cast %scan3A_355 : i32 to index
        %get3A_403 = arith.constant 112 : index
        %get3A_404 = tpu.vector_load %arg5[%get3A_402, %get3A_403] {strides = array<i32>} : memref<50x128xi32, #tpu.memory_space<vmem>>, vector<16xi32>,
        %gather3A_405 = tpu.vector_load_idx %arg6[%get3A_404, %add3A_24] : memref<200x128xf32, #tpu.memory_space<vmem>>[vector<16xi32>, vector<16xi32>], vector<16xf32>,
        %swap3A_406 = arith.index_cast %scan3A_355 : i32 to index
        %swap3A_407 = arith.constant 112 : index
        %swap3A_408 = tpu.vector_load %arg8[%swap3A_406, %swap3A_407] {strides = array<i32>} : memref<50x128xf32, #tpu.memory_space<vmem>>, vector<16xf32>,
        tpu.vector_store %arg8[%swap3A_406, %swap3A_407], %gather3A_405 {strides = array<i32>} : memref<50x128xf32, #tpu.memory_space<vmem>>, vector<16xf32>,
      }
      %scan3A_266 = arith.constant 50 : i32
      %dma_start3A_267 = arith.constant 0 : i32
      %dma_start3A_268 = tpu.memref_slice %arg4[%dma_start3A_267, %add3A_246, %mul3A_26] : memref<50x64x4096xf32, #tpu.memory_space<hbm>> -> memref<50x1x128xf32, #tpu.memory_space<hbm>>
      %dma_start3A_269 = tpu.memref_squeeze %dma_start3A_268 : memref<50x1x128xf32, #tpu.memory_space<hbm>> -> memref<50x128xf32, #tpu.memory_space<hbm>>
      %dma_start3A_270 = arith.constant 0 : i32
      %dma_start3A_271 = tpu.memref_slice %arg4[%dma_start3A_270, %add3A_246, %mul3A_26] : memref<50x64x4096xf32, #tpu.memory_space<hbm>> -> memref<50x1x128xf32, #tpu.memory_space<hbm>>
      %dma_start3A_272 = tpu.memref_squeeze %dma_start3A_271 : memref<50x1x128xf32, #tpu.memory_space<hbm>> -> memref<50x128xf32, #tpu.memory_space<hbm>>
      tpu.enqueue_dma source(%arg8 : memref<50x128xf32, #tpu.memory_space<vmem>>) target(%dma_start3A_272 : memref<50x128xf32, #tpu.memory_space<hbm>>) target_semaphore(%arg12 : memref<!tpu.dma_semaphore, #tpu.memory_space<semaphore_mem>>)
      %add3A_273 = arith.constant 2 : i32
      %add3A_274 = arith.addi %add3A_246, %add3A_273 : i32
      %dma_start3A_275 = arith.constant 0 : i32
      %dma_start3A_276 = arith.constant 0 : i32
      %dma_start3A_277 = tpu.memref_slice %arg6[%dma_start3A_275, %dma_start3A_276] : memref<200x128xf32, #tpu.memory_space<vmem>> -> memref<100x128xf32, #tpu.memory_space<vmem>>
      %dma_start3A_278 = arith.constant 0 : i32
      %dma_start3A_279 = tpu.memref_slice %arg2[%dma_start3A_278, %add3A_274, %mul3A_26] : memref<200x64x4096xf32, #tpu.memory_space<hbm>> -> memref<100x1x128xf32, #tpu.memory_space<hbm>>
      %dma_start3A_280 = tpu.memref_squeeze %dma_start3A_279 : memref<100x1x128xf32, #tpu.memory_space<hbm>> -> memref<100x128xf32, #tpu.memory_space<hbm>>
      %dma_start3A_281 = arith.constant 0 : i32
      %dma_start3A_282 = arith.constant 0 : i32
      %dma_start3A_283 = tpu.memref_slice %arg6[%dma_start3A_281, %dma_start3A_282] : memref<200x128xf32, #tpu.memory_space<vmem>> -> memref<100x128xf32, #tpu.memory_space<vmem>>
      %dma_start3A_284 = arith.constant 0 : i32
      %dma_start3A_285 = tpu.memref_slice %arg2[%dma_start3A_284, %add3A_274, %mul3A_26] : memref<200x64x4096xf32, #tpu.memory_space<hbm>> -> memref<100x1x128xf32, #tpu.memory_space<hbm>>
      %dma_start3A_286 = tpu.memref_squeeze %dma_start3A_285 : memref<100x1x128xf32, #tpu.memory_space<hbm>> -> memref<100x128xf32, #tpu.memory_space<hbm>>
      tpu.enqueue_dma source(%dma_start3A_286 : memref<100x128xf32, #tpu.memory_space<hbm>>) target(%dma_start3A_283 : memref<100x128xf32, #tpu.memory_space<vmem>>) target_semaphore(%arg10 : memref<!tpu.dma_semaphore, #tpu.memory_space<semaphore_mem>>)
      %dma_start3A_287 = arith.constant 100 : i32
      %dma_start3A_288 = arith.constant 0 : i32
      %dma_start3A_289 = tpu.memref_slice %arg6[%dma_start3A_287, %dma_start3A_288] : memref<200x128xf32, #tpu.memory_space<vmem>> -> memref<100x128xf32, #tpu.memory_space<vmem>>
      %dma_start3A_290 = arith.constant 100 : i32
      %dma_start3A_291 = tpu.memref_slice %arg2[%dma_start3A_290, %add3A_274, %mul3A_26] : memref<200x64x4096xf32, #tpu.memory_space<hbm>> -> memref<100x1x128xf32, #tpu.memory_space<hbm>>
      %dma_start3A_292 = tpu.memref_squeeze %dma_start3A_291 : memref<100x1x128xf32, #tpu.memory_space<hbm>> -> memref<100x128xf32, #tpu.memory_space<hbm>>
      %dma_start3A_293 = arith.constant 100 : i32
      %dma_start3A_294 = arith.constant 0 : i32
      %dma_start3A_295 = tpu.memref_slice %arg6[%dma_start3A_293, %dma_start3A_294] : memref<200x128xf32, #tpu.memory_space<vmem>> -> memref<100x128xf32, #tpu.memory_space<vmem>>
      %dma_start3A_296 = arith.constant 100 : i32
      %dma_start3A_297 = tpu.memref_slice %arg2[%dma_start3A_296, %add3A_274, %mul3A_26] : memref<200x64x4096xf32, #tpu.memory_space<hbm>> -> memref<100x1x128xf32, #tpu.memory_space<hbm>>
      %dma_start3A_298 = tpu.memref_squeeze %dma_start3A_297 : memref<100x1x128xf32, #tpu.memory_space<hbm>> -> memref<100x128xf32, #tpu.memory_space<hbm>>
      tpu.enqueue_dma source(%dma_start3A_298 : memref<100x128xf32, #tpu.memory_space<hbm>>) target(%dma_start3A_295 : memref<100x128xf32, #tpu.memory_space<vmem>>) target_semaphore(%arg10 : memref<!tpu.dma_semaphore, #tpu.memory_space<semaphore_mem>>)
      %mul3A_299 = arith.constant 2 : i32
      %mul3A_300 = arith.muli %mul3A_299, %scan3A_242 : i32
      %add3A_301 = arith.constant 1 : i32
      %add3A_302 = arith.addi %mul3A_300, %add3A_301 : i32
      %dma_wait3A_303 = arith.constant 0 : i32
      %dma_wait3A_304 = arith.constant 0 : i32
      %dma_wait3A_305 = tpu.memref_slice %arg2[%dma_wait3A_304, %dma_wait3A_303, %mul3A_26] : memref<200x64x4096xf32, #tpu.memory_space<hbm>> -> memref<200x1x128xf32, #tpu.memory_space<hbm>>
      %dma_wait3A_306 = tpu.memref_squeeze %dma_wait3A_305 : memref<200x1x128xf32, #tpu.memory_space<hbm>> -> memref<200x128xf32, #tpu.memory_space<hbm>>
      %dma_wait3A_307 = arith.constant 0 : i32
      %dma_wait3A_308 = tpu.memref_slice %arg2[%dma_wait3A_307, %dma_wait3A_303, %mul3A_26] : memref<200x64x4096xf32, #tpu.memory_space<hbm>> -> memref<200x1x128xf32, #tpu.memory_space<hbm>>
      %dma_wait3A_309 = tpu.memref_squeeze %dma_wait3A_308 : memref<200x1x128xf32, #tpu.memory_space<hbm>> -> memref<200x128xf32, #tpu.memory_space<hbm>>
      tpu.wait_dma2 semaphore(%arg11 : memref<!tpu.dma_semaphore, #tpu.memory_space<semaphore_mem>>) src(%dma_wait3A_309 : memref<200x128xf32, #tpu.memory_space<hbm>>) dst(%arg7 : memref<200x128xf32, #tpu.memory_space<vmem>>)
      %dma_wait3A_310 = arith.constant 0 : i32
      %dma_wait3A_311 = arith.constant 0 : i32
      %dma_wait3A_312 = tpu.memref_slice %arg4[%dma_wait3A_311, %dma_wait3A_310, %mul3A_26] : memref<50x64x4096xf32, #tpu.memory_space<hbm>> -> memref<50x1x128xf32, #tpu.memory_space<hbm>>
      %dma_wait3A_313 = tpu.memref_squeeze %dma_wait3A_312 : memref<50x1x128xf32, #tpu.memory_space<hbm>> -> memref<50x128xf32, #tpu.memory_space<hbm>>
      %dma_wait3A_314 = arith.constant 0 : i32
      %dma_wait3A_315 = tpu.memref_slice %arg4[%dma_wait3A_314, %dma_wait3A_310, %mul3A_26] : memref<50x64x4096xf32, #tpu.memory_space<hbm>> -> memref<50x1x128xf32, #tpu.memory_space<hbm>>
      %dma_wait3A_316 = tpu.memref_squeeze %dma_wait3A_315 : memref<50x1x128xf32, #tpu.memory_space<hbm>> -> memref<50x128xf32, #tpu.memory_space<hbm>>
      tpu.wait_dma2 semaphore(%arg13 : memref<!tpu.dma_semaphore, #tpu.memory_space<semaphore_mem>>) src(%arg9 : memref<50x128xf32, #tpu.memory_space<vmem>>) dst(%dma_wait3A_316 : memref<50x128xf32, #tpu.memory_space<hbm>>)
      %scan3A_317 = arith.constant 0 : i32
      %scan3A_318 = arith.constant 0 : i32
      %scan3A_319 = arith.constant 50 : i32
      %scan3A_320 = arith.addi %scan3A_318, %scan3A_319 : i32
      %scan3A_321 = arith.constant 1 : i32
      scf.for %scan3A_355 = %scan3A_318 to %scan3A_320 step %scan3A_321  : i32 {
        %get3A = arith.index_cast %scan3A_355 : i32 to index
        %get3A_356 = arith.constant 0 : index
        %get3A_357 = tpu.vector_load %arg5[%get3A, %get3A_356] {strides = array<i32>} : memref<50x128xi32, #tpu.memory_space<vmem>>, vector<16xi32>,
        %gather3A = tpu.vector_load_idx %arg7[%get3A_357, %add3A_3] : memref<200x128xf32, #tpu.memory_space<vmem>>[vector<16xi32>, vector<16xi32>], vector<16xf32>,
        %swap3A = arith.index_cast %scan3A_355 : i32 to index
        %swap3A_358 = arith.constant 0 : index
        %swap3A_359 = tpu.vector_load %arg9[%swap3A, %swap3A_358] {strides = array<i32>} : memref<50x128xf32, #tpu.memory_space<vmem>>, vector<16xf32>,
        tpu.vector_store %arg9[%swap3A, %swap3A_358], %gather3A {strides = array<i32>} : memref<50x128xf32, #tpu.memory_space<vmem>>, vector<16xf32>,
        %get3A_360 = arith.index_cast %scan3A_355 : i32 to index
        %get3A_361 = arith.constant 16 : index
        %get3A_362 = tpu.vector_load %arg5[%get3A_360, %get3A_361] {strides = array<i32>} : memref<50x128xi32, #tpu.memory_space<vmem>>, vector<16xi32>,
        %gather3A_363 = tpu.vector_load_idx %arg7[%get3A_362, %add3A_6] : memref<200x128xf32, #tpu.memory_space<vmem>>[vector<16xi32>, vector<16xi32>], vector<16xf32>,
        %swap3A_364 = arith.index_cast %scan3A_355 : i32 to index
        %swap3A_365 = arith.constant 16 : index
        %swap3A_366 = tpu.vector_load %arg9[%swap3A_364, %swap3A_365] {strides = array<i32>} : memref<50x128xf32, #tpu.memory_space<vmem>>, vector<16xf32>,
        tpu.vector_store %arg9[%swap3A_364, %swap3A_365], %gather3A_363 {strides = array<i32>} : memref<50x128xf32, #tpu.memory_space<vmem>>, vector<16xf32>,
        %get3A_367 = arith.index_cast %scan3A_355 : i32 to index
        %get3A_368 = arith.constant 32 : index
        %get3A_369 = tpu.vector_load %arg5[%get3A_367, %get3A_368] {strides = array<i32>} : memref<50x128xi32, #tpu.memory_space<vmem>>, vector<16xi32>,
        %gather3A_370 = tpu.vector_load_idx %arg7[%get3A_369, %add3A_9] : memref<200x128xf32, #tpu.memory_space<vmem>>[vector<16xi32>, vector<16xi32>], vector<16xf32>,
        %swap3A_371 = arith.index_cast %scan3A_355 : i32 to index
        %swap3A_372 = arith.constant 32 : index
        %swap3A_373 = tpu.vector_load %arg9[%swap3A_371, %swap3A_372] {strides = array<i32>} : memref<50x128xf32, #tpu.memory_space<vmem>>, vector<16xf32>,
        tpu.vector_store %arg9[%swap3A_371, %swap3A_372], %gather3A_370 {strides = array<i32>} : memref<50x128xf32, #tpu.memory_space<vmem>>, vector<16xf32>,
        %get3A_374 = arith.index_cast %scan3A_355 : i32 to index
        %get3A_375 = arith.constant 48 : index
        %get3A_376 = tpu.vector_load %arg5[%get3A_374, %get3A_375] {strides = array<i32>} : memref<50x128xi32, #tpu.memory_space<vmem>>, vector<16xi32>,
        %gather3A_377 = tpu.vector_load_idx %arg7[%get3A_376, %add3A_12] : memref<200x128xf32, #tpu.memory_space<vmem>>[vector<16xi32>, vector<16xi32>], vector<16xf32>,
        %swap3A_378 = arith.index_cast %scan3A_355 : i32 to index
        %swap3A_379 = arith.constant 48 : index
        %swap3A_380 = tpu.vector_load %arg9[%swap3A_378, %swap3A_379] {strides = array<i32>} : memref<50x128xf32, #tpu.memory_space<vmem>>, vector<16xf32>,
        tpu.vector_store %arg9[%swap3A_378, %swap3A_379], %gather3A_377 {strides = array<i32>} : memref<50x128xf32, #tpu.memory_space<vmem>>, vector<16xf32>,
        %get3A_381 = arith.index_cast %scan3A_355 : i32 to index
        %get3A_382 = arith.constant 64 : index
        %get3A_383 = tpu.vector_load %arg5[%get3A_381, %get3A_382] {strides = array<i32>} : memref<50x128xi32, #tpu.memory_space<vmem>>, vector<16xi32>,
        %gather3A_384 = tpu.vector_load_idx %arg7[%get3A_383, %add3A_15] : memref<200x128xf32, #tpu.memory_space<vmem>>[vector<16xi32>, vector<16xi32>], vector<16xf32>,
        %swap3A_385 = arith.index_cast %scan3A_355 : i32 to index
        %swap3A_386 = arith.constant 64 : index
        %swap3A_387 = tpu.vector_load %arg9[%swap3A_385, %swap3A_386] {strides = array<i32>} : memref<50x128xf32, #tpu.memory_space<vmem>>, vector<16xf32>,
        tpu.vector_store %arg9[%swap3A_385, %swap3A_386], %gather3A_384 {strides = array<i32>} : memref<50x128xf32, #tpu.memory_space<vmem>>, vector<16xf32>,
        %get3A_388 = arith.index_cast %scan3A_355 : i32 to index
        %get3A_389 = arith.constant 80 : index
        %get3A_390 = tpu.vector_load %arg5[%get3A_388, %get3A_389] {strides = array<i32>} : memref<50x128xi32, #tpu.memory_space<vmem>>, vector<16xi32>,
        %gather3A_391 = tpu.vector_load_idx %arg7[%get3A_390, %add3A_18] : memref<200x128xf32, #tpu.memory_space<vmem>>[vector<16xi32>, vector<16xi32>], vector<16xf32>,
        %swap3A_392 = arith.index_cast %scan3A_355 : i32 to index
        %swap3A_393 = arith.constant 80 : index
        %swap3A_394 = tpu.vector_load %arg9[%swap3A_392, %swap3A_393] {strides = array<i32>} : memref<50x128xf32, #tpu.memory_space<vmem>>, vector<16xf32>,
        tpu.vector_store %arg9[%swap3A_392, %swap3A_393], %gather3A_391 {strides = array<i32>} : memref<50x128xf32, #tpu.memory_space<vmem>>, vector<16xf32>,
        %get3A_395 = arith.index_cast %scan3A_355 : i32 to index
        %get3A_396 = arith.constant 96 : index
        %get3A_397 = tpu.vector_load %arg5[%get3A_395, %get3A_396] {strides = array<i32>} : memref<50x128xi32, #tpu.memory_space<vmem>>, vector<16xi32>,
        %gather3A_398 = tpu.vector_load_idx %arg7[%get3A_397, %add3A_21] : memref<200x128xf32, #tpu.memory_space<vmem>>[vector<16xi32>, vector<16xi32>], vector<16xf32>,
        %swap3A_399 = arith.index_cast %scan3A_355 : i32 to index
        %swap3A_400 = arith.constant 96 : index
        %swap3A_401 = tpu.vector_load %arg9[%swap3A_399, %swap3A_400] {strides = array<i32>} : memref<50x128xf32, #tpu.memory_space<vmem>>, vector<16xf32>,
        tpu.vector_store %arg9[%swap3A_399, %swap3A_400], %gather3A_398 {strides = array<i32>} : memref<50x128xf32, #tpu.memory_space<vmem>>, vector<16xf32>,
        %get3A_402 = arith.index_cast %scan3A_355 : i32 to index
        %get3A_403 = arith.constant 112 : index
        %get3A_404 = tpu.vector_load %arg5[%get3A_402, %get3A_403] {strides = array<i32>} : memref<50x128xi32, #tpu.memory_space<vmem>>, vector<16xi32>,
        %gather3A_405 = tpu.vector_load_idx %arg7[%get3A_404, %add3A_24] : memref<200x128xf32, #tpu.memory_space<vmem>>[vector<16xi32>, vector<16xi32>], vector<16xf32>,
        %swap3A_406 = arith.index_cast %scan3A_355 : i32 to index
        %swap3A_407 = arith.constant 112 : index
        %swap3A_408 = tpu.vector_load %arg9[%swap3A_406, %swap3A_407] {strides = array<i32>} : memref<50x128xf32, #tpu.memory_space<vmem>>, vector<16xf32>,
        tpu.vector_store %arg9[%swap3A_406, %swap3A_407], %gather3A_405 {strides = array<i32>} : memref<50x128xf32, #tpu.memory_space<vmem>>, vector<16xf32>,
      }
      %scan3A_322 = arith.constant 50 : i32
      %dma_start3A_323 = arith.constant 0 : i32
      %dma_start3A_324 = tpu.memref_slice %arg4[%dma_start3A_323, %add3A_302, %mul3A_26] : memref<50x64x4096xf32, #tpu.memory_space<hbm>> -> memref<50x1x128xf32, #tpu.memory_space<hbm>>
      %dma_start3A_325 = tpu.memref_squeeze %dma_start3A_324 : memref<50x1x128xf32, #tpu.memory_space<hbm>> -> memref<50x128xf32, #tpu.memory_space<hbm>>
      %dma_start3A_326 = arith.constant 0 : i32
      %dma_start3A_327 = tpu.memref_slice %arg4[%dma_start3A_326, %add3A_302, %mul3A_26] : memref<50x64x4096xf32, #tpu.memory_space<hbm>> -> memref<50x1x128xf32, #tpu.memory_space<hbm>>
      %dma_start3A_328 = tpu.memref_squeeze %dma_start3A_327 : memref<50x1x128xf32, #tpu.memory_space<hbm>> -> memref<50x128xf32, #tpu.memory_space<hbm>>
      tpu.enqueue_dma source(%arg9 : memref<50x128xf32, #tpu.memory_space<vmem>>) target(%dma_start3A_328 : memref<50x128xf32, #tpu.memory_space<hbm>>) target_semaphore(%arg13 : memref<!tpu.dma_semaphore, #tpu.memory_space<semaphore_mem>>)
      %add3A_329 = arith.constant 2 : i32
      %add3A_330 = arith.addi %add3A_302, %add3A_329 : i32
      %dma_start3A_331 = arith.constant 0 : i32
      %dma_start3A_332 = arith.constant 0 : i32
      %dma_start3A_333 = tpu.memref_slice %arg7[%dma_start3A_331, %dma_start3A_332] : memref<200x128xf32, #tpu.memory_space<vmem>> -> memref<100x128xf32, #tpu.memory_space<vmem>>
      %dma_start3A_334 = arith.constant 0 : i32
      %dma_start3A_335 = tpu.memref_slice %arg2[%dma_start3A_334, %add3A_330, %mul3A_26] : memref<200x64x4096xf32, #tpu.memory_space<hbm>> -> memref<100x1x128xf32, #tpu.memory_space<hbm>>
      %dma_start3A_336 = tpu.memref_squeeze %dma_start3A_335 : memref<100x1x128xf32, #tpu.memory_space<hbm>> -> memref<100x128xf32, #tpu.memory_space<hbm>>
      %dma_start3A_337 = arith.constant 0 : i32
      %dma_start3A_338 = arith.constant 0 : i32
      %dma_start3A_339 = tpu.memref_slice %arg7[%dma_start3A_337, %dma_start3A_338] : memref<200x128xf32, #tpu.memory_space<vmem>> -> memref<100x128xf32, #tpu.memory_space<vmem>>
      %dma_start3A_340 = arith.constant 0 : i32
      %dma_start3A_341 = tpu.memref_slice %arg2[%dma_start3A_340, %add3A_330, %mul3A_26] : memref<200x64x4096xf32, #tpu.memory_space<hbm>> -> memref<100x1x128xf32, #tpu.memory_space<hbm>>
      %dma_start3A_342 = tpu.memref_squeeze %dma_start3A_341 : memref<100x1x128xf32, #tpu.memory_space<hbm>> -> memref<100x128xf32, #tpu.memory_space<hbm>>
      tpu.enqueue_dma source(%dma_start3A_342 : memref<100x128xf32, #tpu.memory_space<hbm>>) target(%dma_start3A_339 : memref<100x128xf32, #tpu.memory_space<vmem>>) target_semaphore(%arg11 : memref<!tpu.dma_semaphore, #tpu.memory_space<semaphore_mem>>)
      %dma_start3A_343 = arith.constant 100 : i32
      %dma_start3A_344 = arith.constant 0 : i32
      %dma_start3A_345 = tpu.memref_slice %arg7[%dma_start3A_343, %dma_start3A_344] : memref<200x128xf32, #tpu.memory_space<vmem>> -> memref<100x128xf32, #tpu.memory_space<vmem>>
      %dma_start3A_346 = arith.constant 100 : i32
      %dma_start3A_347 = tpu.memref_slice %arg2[%dma_start3A_346, %add3A_330, %mul3A_26] : memref<200x64x4096xf32, #tpu.memory_space<hbm>> -> memref<100x1x128xf32, #tpu.memory_space<hbm>>
      %dma_start3A_348 = tpu.memref_squeeze %dma_start3A_347 : memref<100x1x128xf32, #tpu.memory_space<hbm>> -> memref<100x128xf32, #tpu.memory_space<hbm>>
      %dma_start3A_349 = arith.constant 100 : i32
      %dma_start3A_350 = arith.constant 0 : i32
      %dma_start3A_351 = tpu.memref_slice %arg7[%dma_start3A_349, %dma_start3A_350] : memref<200x128xf32, #tpu.memory_space<vmem>> -> memref<100x128xf32, #tpu.memory_space<vmem>>
      %dma_start3A_352 = arith.constant 100 : i32
      %dma_start3A_353 = tpu.memref_slice %arg2[%dma_start3A_352, %add3A_330, %mul3A_26] : memref<200x64x4096xf32, #tpu.memory_space<hbm>> -> memref<100x1x128xf32, #tpu.memory_space<hbm>>
      %dma_start3A_354 = tpu.memref_squeeze %dma_start3A_353 : memref<100x1x128xf32, #tpu.memory_space<hbm>> -> memref<100x128xf32, #tpu.memory_space<hbm>>
      tpu.enqueue_dma source(%dma_start3A_354 : memref<100x128xf32, #tpu.memory_space<hbm>>) target(%dma_start3A_351 : memref<100x128xf32, #tpu.memory_space<vmem>>) target_semaphore(%arg11 : memref<!tpu.dma_semaphore, #tpu.memory_space<semaphore_mem>>)
    }
    %scan3A_173 = arith.constant 30 : i32
    %dma_wait3A_174 = arith.constant 0 : i32
    %dma_wait3A_175 = arith.constant 0 : i32
    %dma_wait3A_176 = tpu.memref_slice %arg2[%dma_wait3A_175, %dma_wait3A_174, %mul3A_26] : memref<200x64x4096xf32, #tpu.memory_space<hbm>> -> memref<200x1x128xf32, #tpu.memory_space<hbm>>
    %dma_wait3A_177 = tpu.memref_squeeze %dma_wait3A_176 : memref<200x1x128xf32, #tpu.memory_space<hbm>> -> memref<200x128xf32, #tpu.memory_space<hbm>>
    %dma_wait3A_178 = arith.constant 0 : i32
    %dma_wait3A_179 = tpu.memref_slice %arg2[%dma_wait3A_178, %dma_wait3A_174, %mul3A_26] : memref<200x64x4096xf32, #tpu.memory_space<hbm>> -> memref<200x1x128xf32, #tpu.memory_space<hbm>>
    %dma_wait3A_180 = tpu.memref_squeeze %dma_wait3A_179 : memref<200x1x128xf32, #tpu.memory_space<hbm>> -> memref<200x128xf32, #tpu.memory_space<hbm>>
    tpu.wait_dma2 semaphore(%arg10 : memref<!tpu.dma_semaphore, #tpu.memory_space<semaphore_mem>>) src(%dma_wait3A_180 : memref<200x128xf32, #tpu.memory_space<hbm>>) dst(%arg6 : memref<200x128xf32, #tpu.memory_space<vmem>>)
    %dma_wait3A_181 = arith.constant 0 : i32
    %dma_wait3A_182 = arith.constant 0 : i32
    %dma_wait3A_183 = tpu.memref_slice %arg4[%dma_wait3A_182, %dma_wait3A_181, %mul3A_26] : memref<50x64x4096xf32, #tpu.memory_space<hbm>> -> memref<50x1x128xf32, #tpu.memory_space<hbm>>
    %dma_wait3A_184 = tpu.memref_squeeze %dma_wait3A_183 : memref<50x1x128xf32, #tpu.memory_space<hbm>> -> memref<50x128xf32, #tpu.memory_space<hbm>>
    %dma_wait3A_185 = arith.constant 0 : i32
    %dma_wait3A_186 = tpu.memref_slice %arg4[%dma_wait3A_185, %dma_wait3A_181, %mul3A_26] : memref<50x64x4096xf32, #tpu.memory_space<hbm>> -> memref<50x1x128xf32, #tpu.memory_space<hbm>>
    %dma_wait3A_187 = tpu.memref_squeeze %dma_wait3A_186 : memref<50x1x128xf32, #tpu.memory_space<hbm>> -> memref<50x128xf32, #tpu.memory_space<hbm>>
    tpu.wait_dma2 semaphore(%arg12 : memref<!tpu.dma_semaphore, #tpu.memory_space<semaphore_mem>>) src(%arg8 : memref<50x128xf32, #tpu.memory_space<vmem>>) dst(%dma_wait3A_187 : memref<50x128xf32, #tpu.memory_space<hbm>>)
    %scan3A_188 = arith.constant 0 : i32
    %scan3A_189 = arith.constant 0 : i32
    %scan3A_190 = arith.constant 50 : i32
    %scan3A_191 = arith.addi %scan3A_189, %scan3A_190 : i32
    %scan3A_192 = arith.constant 1 : i32
    scf.for %scan3A_242 = %scan3A_189 to %scan3A_191 step %scan3A_192  : i32 {
      %get3A = arith.index_cast %scan3A_242 : i32 to index
      %get3A_243 = arith.constant 0 : index
      %get3A_244 = tpu.vector_load %arg5[%get3A, %get3A_243] {strides = array<i32>} : memref<50x128xi32, #tpu.memory_space<vmem>>, vector<16xi32>,
      %gather3A = tpu.vector_load_idx %arg6[%get3A_244, %add3A_3] : memref<200x128xf32, #tpu.memory_space<vmem>>[vector<16xi32>, vector<16xi32>], vector<16xf32>,
      %swap3A = arith.index_cast %scan3A_242 : i32 to index
      %swap3A_245 = arith.constant 0 : index
      %swap3A_246 = tpu.vector_load %arg8[%swap3A, %swap3A_245] {strides = array<i32>} : memref<50x128xf32, #tpu.memory_space<vmem>>, vector<16xf32>,
      tpu.vector_store %arg8[%swap3A, %swap3A_245], %gather3A {strides = array<i32>} : memref<50x128xf32, #tpu.memory_space<vmem>>, vector<16xf32>,
      %get3A_247 = arith.index_cast %scan3A_242 : i32 to index
      %get3A_248 = arith.constant 16 : index
      %get3A_249 = tpu.vector_load %arg5[%get3A_247, %get3A_248] {strides = array<i32>} : memref<50x128xi32, #tpu.memory_space<vmem>>, vector<16xi32>,
      %gather3A_250 = tpu.vector_load_idx %arg6[%get3A_249, %add3A_6] : memref<200x128xf32, #tpu.memory_space<vmem>>[vector<16xi32>, vector<16xi32>], vector<16xf32>,
      %swap3A_251 = arith.index_cast %scan3A_242 : i32 to index
      %swap3A_252 = arith.constant 16 : index
      %swap3A_253 = tpu.vector_load %arg8[%swap3A_251, %swap3A_252] {strides = array<i32>} : memref<50x128xf32, #tpu.memory_space<vmem>>, vector<16xf32>,
      tpu.vector_store %arg8[%swap3A_251, %swap3A_252], %gather3A_250 {strides = array<i32>} : memref<50x128xf32, #tpu.memory_space<vmem>>, vector<16xf32>,
      %get3A_254 = arith.index_cast %scan3A_242 : i32 to index
      %get3A_255 = arith.constant 32 : index
      %get3A_256 = tpu.vector_load %arg5[%get3A_254, %get3A_255] {strides = array<i32>} : memref<50x128xi32, #tpu.memory_space<vmem>>, vector<16xi32>,
      %gather3A_257 = tpu.vector_load_idx %arg6[%get3A_256, %add3A_9] : memref<200x128xf32, #tpu.memory_space<vmem>>[vector<16xi32>, vector<16xi32>], vector<16xf32>,
      %swap3A_258 = arith.index_cast %scan3A_242 : i32 to index
      %swap3A_259 = arith.constant 32 : index
      %swap3A_260 = tpu.vector_load %arg8[%swap3A_258, %swap3A_259] {strides = array<i32>} : memref<50x128xf32, #tpu.memory_space<vmem>>, vector<16xf32>,
      tpu.vector_store %arg8[%swap3A_258, %swap3A_259], %gather3A_257 {strides = array<i32>} : memref<50x128xf32, #tpu.memory_space<vmem>>, vector<16xf32>,
      %get3A_261 = arith.index_cast %scan3A_242 : i32 to index
      %get3A_262 = arith.constant 48 : index
      %get3A_263 = tpu.vector_load %arg5[%get3A_261, %get3A_262] {strides = array<i32>} : memref<50x128xi32, #tpu.memory_space<vmem>>, vector<16xi32>,
      %gather3A_264 = tpu.vector_load_idx %arg6[%get3A_263, %add3A_12] : memref<200x128xf32, #tpu.memory_space<vmem>>[vector<16xi32>, vector<16xi32>], vector<16xf32>,
      %swap3A_265 = arith.index_cast %scan3A_242 : i32 to index
      %swap3A_266 = arith.constant 48 : index
      %swap3A_267 = tpu.vector_load %arg8[%swap3A_265, %swap3A_266] {strides = array<i32>} : memref<50x128xf32, #tpu.memory_space<vmem>>, vector<16xf32>,
      tpu.vector_store %arg8[%swap3A_265, %swap3A_266], %gather3A_264 {strides = array<i32>} : memref<50x128xf32, #tpu.memory_space<vmem>>, vector<16xf32>,
      %get3A_268 = arith.index_cast %scan3A_242 : i32 to index
      %get3A_269 = arith.constant 64 : index
      %get3A_270 = tpu.vector_load %arg5[%get3A_268, %get3A_269] {strides = array<i32>} : memref<50x128xi32, #tpu.memory_space<vmem>>, vector<16xi32>,
      %gather3A_271 = tpu.vector_load_idx %arg6[%get3A_270, %add3A_15] : memref<200x128xf32, #tpu.memory_space<vmem>>[vector<16xi32>, vector<16xi32>], vector<16xf32>,
      %swap3A_272 = arith.index_cast %scan3A_242 : i32 to index
      %swap3A_273 = arith.constant 64 : index
      %swap3A_274 = tpu.vector_load %arg8[%swap3A_272, %swap3A_273] {strides = array<i32>} : memref<50x128xf32, #tpu.memory_space<vmem>>, vector<16xf32>,
      tpu.vector_store %arg8[%swap3A_272, %swap3A_273], %gather3A_271 {strides = array<i32>} : memref<50x128xf32, #tpu.memory_space<vmem>>, vector<16xf32>,
      %get3A_275 = arith.index_cast %scan3A_242 : i32 to index
      %get3A_276 = arith.constant 80 : index
      %get3A_277 = tpu.vector_load %arg5[%get3A_275, %get3A_276] {strides = array<i32>} : memref<50x128xi32, #tpu.memory_space<vmem>>, vector<16xi32>,
      %gather3A_278 = tpu.vector_load_idx %arg6[%get3A_277, %add3A_18] : memref<200x128xf32, #tpu.memory_space<vmem>>[vector<16xi32>, vector<16xi32>], vector<16xf32>,
      %swap3A_279 = arith.index_cast %scan3A_242 : i32 to index
      %swap3A_280 = arith.constant 80 : index
      %swap3A_281 = tpu.vector_load %arg8[%swap3A_279, %swap3A_280] {strides = array<i32>} : memref<50x128xf32, #tpu.memory_space<vmem>>, vector<16xf32>,
      tpu.vector_store %arg8[%swap3A_279, %swap3A_280], %gather3A_278 {strides = array<i32>} : memref<50x128xf32, #tpu.memory_space<vmem>>, vector<16xf32>,
      %get3A_282 = arith.index_cast %scan3A_242 : i32 to index
      %get3A_283 = arith.constant 96 : index
      %get3A_284 = tpu.vector_load %arg5[%get3A_282, %get3A_283] {strides = array<i32>} : memref<50x128xi32, #tpu.memory_space<vmem>>, vector<16xi32>,
      %gather3A_285 = tpu.vector_load_idx %arg6[%get3A_284, %add3A_21] : memref<200x128xf32, #tpu.memory_space<vmem>>[vector<16xi32>, vector<16xi32>], vector<16xf32>,
      %swap3A_286 = arith.index_cast %scan3A_242 : i32 to index
      %swap3A_287 = arith.constant 96 : index
      %swap3A_288 = tpu.vector_load %arg8[%swap3A_286, %swap3A_287] {strides = array<i32>} : memref<50x128xf32, #tpu.memory_space<vmem>>, vector<16xf32>,
      tpu.vector_store %arg8[%swap3A_286, %swap3A_287], %gather3A_285 {strides = array<i32>} : memref<50x128xf32, #tpu.memory_space<vmem>>, vector<16xf32>,
      %get3A_289 = arith.index_cast %scan3A_242 : i32 to index
      %get3A_290 = arith.constant 112 : index
      %get3A_291 = tpu.vector_load %arg5[%get3A_289, %get3A_290] {strides = array<i32>} : memref<50x128xi32, #tpu.memory_space<vmem>>, vector<16xi32>,
      %gather3A_292 = tpu.vector_load_idx %arg6[%get3A_291, %add3A_24] : memref<200x128xf32, #tpu.memory_space<vmem>>[vector<16xi32>, vector<16xi32>], vector<16xf32>,
      %swap3A_293 = arith.index_cast %scan3A_242 : i32 to index
      %swap3A_294 = arith.constant 112 : index
      %swap3A_295 = tpu.vector_load %arg8[%swap3A_293, %swap3A_294] {strides = array<i32>} : memref<50x128xf32, #tpu.memory_space<vmem>>, vector<16xf32>,
      tpu.vector_store %arg8[%swap3A_293, %swap3A_294], %gather3A_292 {strides = array<i32>} : memref<50x128xf32, #tpu.memory_space<vmem>>, vector<16xf32>,
    }
    %scan3A_193 = arith.constant 50 : i32
    %dma_start3A_194 = arith.constant 62 : i32
    %dma_start3A_195 = arith.constant 0 : i32
    %dma_start3A_196 = tpu.memref_slice %arg4[%dma_start3A_195, %dma_start3A_194, %mul3A_26] : memref<50x64x4096xf32, #tpu.memory_space<hbm>> -> memref<50x1x128xf32, #tpu.memory_space<hbm>>
    %dma_start3A_197 = tpu.memref_squeeze %dma_start3A_196 : memref<50x1x128xf32, #tpu.memory_space<hbm>> -> memref<50x128xf32, #tpu.memory_space<hbm>>
    %dma_start3A_198 = arith.constant 0 : i32
    %dma_start3A_199 = tpu.memref_slice %arg4[%dma_start3A_198, %dma_start3A_194, %mul3A_26] : memref<50x64x4096xf32, #tpu.memory_space<hbm>> -> memref<50x1x128xf32, #tpu.memory_space<hbm>>
    %dma_start3A_200 = tpu.memref_squeeze %dma_start3A_199 : memref<50x1x128xf32, #tpu.memory_space<hbm>> -> memref<50x128xf32, #tpu.memory_space<hbm>>
    tpu.enqueue_dma source(%arg8 : memref<50x128xf32, #tpu.memory_space<vmem>>) target(%dma_start3A_200 : memref<50x128xf32, #tpu.memory_space<hbm>>) target_semaphore(%arg12 : memref<!tpu.dma_semaphore, #tpu.memory_space<semaphore_mem>>)
    %dma_wait3A_201 = arith.constant 0 : i32
    %dma_wait3A_202 = arith.constant 0 : i32
    %dma_wait3A_203 = tpu.memref_slice %arg2[%dma_wait3A_202, %dma_wait3A_201, %mul3A_26] : memref<200x64x4096xf32, #tpu.memory_space<hbm>> -> memref<200x1x128xf32, #tpu.memory_space<hbm>>
    %dma_wait3A_204 = tpu.memref_squeeze %dma_wait3A_203 : memref<200x1x128xf32, #tpu.memory_space<hbm>> -> memref<200x128xf32, #tpu.memory_space<hbm>>
    %dma_wait3A_205 = arith.constant 0 : i32
    %dma_wait3A_206 = tpu.memref_slice %arg2[%dma_wait3A_205, %dma_wait3A_201, %mul3A_26] : memref<200x64x4096xf32, #tpu.memory_space<hbm>> -> memref<200x1x128xf32, #tpu.memory_space<hbm>>
    %dma_wait3A_207 = tpu.memref_squeeze %dma_wait3A_206 : memref<200x1x128xf32, #tpu.memory_space<hbm>> -> memref<200x128xf32, #tpu.memory_space<hbm>>
    tpu.wait_dma2 semaphore(%arg11 : memref<!tpu.dma_semaphore, #tpu.memory_space<semaphore_mem>>) src(%dma_wait3A_207 : memref<200x128xf32, #tpu.memory_space<hbm>>) dst(%arg7 : memref<200x128xf32, #tpu.memory_space<vmem>>)
    %dma_wait3A_208 = arith.constant 0 : i32
    %dma_wait3A_209 = arith.constant 0 : i32
    %dma_wait3A_210 = tpu.memref_slice %arg4[%dma_wait3A_209, %dma_wait3A_208, %mul3A_26] : memref<50x64x4096xf32, #tpu.memory_space<hbm>> -> memref<50x1x128xf32, #tpu.memory_space<hbm>>
    %dma_wait3A_211 = tpu.memref_squeeze %dma_wait3A_210 : memref<50x1x128xf32, #tpu.memory_space<hbm>> -> memref<50x128xf32, #tpu.memory_space<hbm>>
    %dma_wait3A_212 = arith.constant 0 : i32
    %dma_wait3A_213 = tpu.memref_slice %arg4[%dma_wait3A_212, %dma_wait3A_208, %mul3A_26] : memref<50x64x4096xf32, #tpu.memory_space<hbm>> -> memref<50x1x128xf32, #tpu.memory_space<hbm>>
    %dma_wait3A_214 = tpu.memref_squeeze %dma_wait3A_213 : memref<50x1x128xf32, #tpu.memory_space<hbm>> -> memref<50x128xf32, #tpu.memory_space<hbm>>
    tpu.wait_dma2 semaphore(%arg13 : memref<!tpu.dma_semaphore, #tpu.memory_space<semaphore_mem>>) src(%arg9 : memref<50x128xf32, #tpu.memory_space<vmem>>) dst(%dma_wait3A_214 : memref<50x128xf32, #tpu.memory_space<hbm>>)
    %scan3A_215 = arith.constant 0 : i32
    %scan3A_216 = arith.constant 0 : i32
    %scan3A_217 = arith.constant 50 : i32
    %scan3A_218 = arith.addi %scan3A_216, %scan3A_217 : i32
    %scan3A_219 = arith.constant 1 : i32
    scf.for %scan3A_242 = %scan3A_216 to %scan3A_218 step %scan3A_219  : i32 {
      %get3A = arith.index_cast %scan3A_242 : i32 to index
      %get3A_243 = arith.constant 0 : index
      %get3A_244 = tpu.vector_load %arg5[%get3A, %get3A_243] {strides = array<i32>} : memref<50x128xi32, #tpu.memory_space<vmem>>, vector<16xi32>,
      %gather3A = tpu.vector_load_idx %arg7[%get3A_244, %add3A_3] : memref<200x128xf32, #tpu.memory_space<vmem>>[vector<16xi32>, vector<16xi32>], vector<16xf32>,
      %swap3A = arith.index_cast %scan3A_242 : i32 to index
      %swap3A_245 = arith.constant 0 : index
      %swap3A_246 = tpu.vector_load %arg9[%swap3A, %swap3A_245] {strides = array<i32>} : memref<50x128xf32, #tpu.memory_space<vmem>>, vector<16xf32>,
      tpu.vector_store %arg9[%swap3A, %swap3A_245], %gather3A {strides = array<i32>} : memref<50x128xf32, #tpu.memory_space<vmem>>, vector<16xf32>,
      %get3A_247 = arith.index_cast %scan3A_242 : i32 to index
      %get3A_248 = arith.constant 16 : index
      %get3A_249 = tpu.vector_load %arg5[%get3A_247, %get3A_248] {strides = array<i32>} : memref<50x128xi32, #tpu.memory_space<vmem>>, vector<16xi32>,
      %gather3A_250 = tpu.vector_load_idx %arg7[%get3A_249, %add3A_6] : memref<200x128xf32, #tpu.memory_space<vmem>>[vector<16xi32>, vector<16xi32>], vector<16xf32>,
      %swap3A_251 = arith.index_cast %scan3A_242 : i32 to index
      %swap3A_252 = arith.constant 16 : index
      %swap3A_253 = tpu.vector_load %arg9[%swap3A_251, %swap3A_252] {strides = array<i32>} : memref<50x128xf32, #tpu.memory_space<vmem>>, vector<16xf32>,
      tpu.vector_store %arg9[%swap3A_251, %swap3A_252], %gather3A_250 {strides = array<i32>} : memref<50x128xf32, #tpu.memory_space<vmem>>, vector<16xf32>,
      %get3A_254 = arith.index_cast %scan3A_242 : i32 to index
      %get3A_255 = arith.constant 32 : index
      %get3A_256 = tpu.vector_load %arg5[%get3A_254, %get3A_255] {strides = array<i32>} : memref<50x128xi32, #tpu.memory_space<vmem>>, vector<16xi32>,
      %gather3A_257 = tpu.vector_load_idx %arg7[%get3A_256, %add3A_9] : memref<200x128xf32, #tpu.memory_space<vmem>>[vector<16xi32>, vector<16xi32>], vector<16xf32>,
      %swap3A_258 = arith.index_cast %scan3A_242 : i32 to index
      %swap3A_259 = arith.constant 32 : index
      %swap3A_260 = tpu.vector_load %arg9[%swap3A_258, %swap3A_259] {strides = array<i32>} : memref<50x128xf32, #tpu.memory_space<vmem>>, vector<16xf32>,
      tpu.vector_store %arg9[%swap3A_258, %swap3A_259], %gather3A_257 {strides = array<i32>} : memref<50x128xf32, #tpu.memory_space<vmem>>, vector<16xf32>,
      %get3A_261 = arith.index_cast %scan3A_242 : i32 to index
      %get3A_262 = arith.constant 48 : index
      %get3A_263 = tpu.vector_load %arg5[%get3A_261, %get3A_262] {strides = array<i32>} : memref<50x128xi32, #tpu.memory_space<vmem>>, vector<16xi32>,
      %gather3A_264 = tpu.vector_load_idx %arg7[%get3A_263, %add3A_12] : memref<200x128xf32, #tpu.memory_space<vmem>>[vector<16xi32>, vector<16xi32>], vector<16xf32>,
      %swap3A_265 = arith.index_cast %scan3A_242 : i32 to index
      %swap3A_266 = arith.constant 48 : index
      %swap3A_267 = tpu.vector_load %arg9[%swap3A_265, %swap3A_266] {strides = array<i32>} : memref<50x128xf32, #tpu.memory_space<vmem>>, vector<16xf32>,
      tpu.vector_store %arg9[%swap3A_265, %swap3A_266], %gather3A_264 {strides = array<i32>} : memref<50x128xf32, #tpu.memory_space<vmem>>, vector<16xf32>,
      %get3A_268 = arith.index_cast %scan3A_242 : i32 to index
      %get3A_269 = arith.constant 64 : index
      %get3A_270 = tpu.vector_load %arg5[%get3A_268, %get3A_269] {strides = array<i32>} : memref<50x128xi32, #tpu.memory_space<vmem>>, vector<16xi32>,
      %gather3A_271 = tpu.vector_load_idx %arg7[%get3A_270, %add3A_15] : memref<200x128xf32, #tpu.memory_space<vmem>>[vector<16xi32>, vector<16xi32>], vector<16xf32>,
      %swap3A_272 = arith.index_cast %scan3A_242 : i32 to index
      %swap3A_273 = arith.constant 64 : index
      %swap3A_274 = tpu.vector_load %arg9[%swap3A_272, %swap3A_273] {strides = array<i32>} : memref<50x128xf32, #tpu.memory_space<vmem>>, vector<16xf32>,
      tpu.vector_store %arg9[%swap3A_272, %swap3A_273], %gather3A_271 {strides = array<i32>} : memref<50x128xf32, #tpu.memory_space<vmem>>, vector<16xf32>,
      %get3A_275 = arith.index_cast %scan3A_242 : i32 to index
      %get3A_276 = arith.constant 80 : index
      %get3A_277 = tpu.vector_load %arg5[%get3A_275, %get3A_276] {strides = array<i32>} : memref<50x128xi32, #tpu.memory_space<vmem>>, vector<16xi32>,
      %gather3A_278 = tpu.vector_load_idx %arg7[%get3A_277, %add3A_18] : memref<200x128xf32, #tpu.memory_space<vmem>>[vector<16xi32>, vector<16xi32>], vector<16xf32>,
      %swap3A_279 = arith.index_cast %scan3A_242 : i32 to index
      %swap3A_280 = arith.constant 80 : index
      %swap3A_281 = tpu.vector_load %arg9[%swap3A_279, %swap3A_280] {strides = array<i32>} : memref<50x128xf32, #tpu.memory_space<vmem>>, vector<16xf32>,
      tpu.vector_store %arg9[%swap3A_279, %swap3A_280], %gather3A_278 {strides = array<i32>} : memref<50x128xf32, #tpu.memory_space<vmem>>, vector<16xf32>,
      %get3A_282 = arith.index_cast %scan3A_242 : i32 to index
      %get3A_283 = arith.constant 96 : index
      %get3A_284 = tpu.vector_load %arg5[%get3A_282, %get3A_283] {strides = array<i32>} : memref<50x128xi32, #tpu.memory_space<vmem>>, vector<16xi32>,
      %gather3A_285 = tpu.vector_load_idx %arg7[%get3A_284, %add3A_21] : memref<200x128xf32, #tpu.memory_space<vmem>>[vector<16xi32>, vector<16xi32>], vector<16xf32>,
      %swap3A_286 = arith.index_cast %scan3A_242 : i32 to index
      %swap3A_287 = arith.constant 96 : index
      %swap3A_288 = tpu.vector_load %arg9[%swap3A_286, %swap3A_287] {strides = array<i32>} : memref<50x128xf32, #tpu.memory_space<vmem>>, vector<16xf32>,
      tpu.vector_store %arg9[%swap3A_286, %swap3A_287], %gather3A_285 {strides = array<i32>} : memref<50x128xf32, #tpu.memory_space<vmem>>, vector<16xf32>,
      %get3A_289 = arith.index_cast %scan3A_242 : i32 to index
      %get3A_290 = arith.constant 112 : index
      %get3A_291 = tpu.vector_load %arg5[%get3A_289, %get3A_290] {strides = array<i32>} : memref<50x128xi32, #tpu.memory_space<vmem>>, vector<16xi32>,
      %gather3A_292 = tpu.vector_load_idx %arg7[%get3A_291, %add3A_24] : memref<200x128xf32, #tpu.memory_space<vmem>>[vector<16xi32>, vector<16xi32>], vector<16xf32>,
      %swap3A_293 = arith.index_cast %scan3A_242 : i32 to index
      %swap3A_294 = arith.constant 112 : index
      %swap3A_295 = tpu.vector_load %arg9[%swap3A_293, %swap3A_294] {strides = array<i32>} : memref<50x128xf32, #tpu.memory_space<vmem>>, vector<16xf32>,
      tpu.vector_store %arg9[%swap3A_293, %swap3A_294], %gather3A_292 {strides = array<i32>} : memref<50x128xf32, #tpu.memory_space<vmem>>, vector<16xf32>,
    }
    %scan3A_220 = arith.constant 50 : i32
    %dma_start3A_221 = arith.constant 63 : i32
    %dma_start3A_222 = arith.constant 0 : i32
    %dma_start3A_223 = tpu.memref_slice %arg4[%dma_start3A_222, %dma_start3A_221, %mul3A_26] : memref<50x64x4096xf32, #tpu.memory_space<hbm>> -> memref<50x1x128xf32, #tpu.memory_space<hbm>>
    %dma_start3A_224 = tpu.memref_squeeze %dma_start3A_223 : memref<50x1x128xf32, #tpu.memory_space<hbm>> -> memref<50x128xf32, #tpu.memory_space<hbm>>
    %dma_start3A_225 = arith.constant 0 : i32
    %dma_start3A_226 = tpu.memref_slice %arg4[%dma_start3A_225, %dma_start3A_221, %mul3A_26] : memref<50x64x4096xf32, #tpu.memory_space<hbm>> -> memref<50x1x128xf32, #tpu.memory_space<hbm>>
    %dma_start3A_227 = tpu.memref_squeeze %dma_start3A_226 : memref<50x1x128xf32, #tpu.memory_space<hbm>> -> memref<50x128xf32, #tpu.memory_space<hbm>>
    tpu.enqueue_dma source(%arg9 : memref<50x128xf32, #tpu.memory_space<vmem>>) target(%dma_start3A_227 : memref<50x128xf32, #tpu.memory_space<hbm>>) target_semaphore(%arg13 : memref<!tpu.dma_semaphore, #tpu.memory_space<semaphore_mem>>)
    %dma_wait3A_228 = arith.constant 0 : i32
    %dma_wait3A_229 = arith.constant 0 : i32
    %dma_wait3A_230 = tpu.memref_slice %arg4[%dma_wait3A_229, %dma_wait3A_228, %mul3A_26] : memref<50x64x4096xf32, #tpu.memory_space<hbm>> -> memref<50x1x128xf32, #tpu.memory_space<hbm>>
    %dma_wait3A_231 = tpu.memref_squeeze %dma_wait3A_230 : memref<50x1x128xf32, #tpu.memory_space<hbm>> -> memref<50x128xf32, #tpu.memory_space<hbm>>
    %dma_wait3A_232 = arith.constant 0 : i32
    %dma_wait3A_233 = tpu.memref_slice %arg4[%dma_wait3A_232, %dma_wait3A_228, %mul3A_26] : memref<50x64x4096xf32, #tpu.memory_space<hbm>> -> memref<50x1x128xf32, #tpu.memory_space<hbm>>
    %dma_wait3A_234 = tpu.memref_squeeze %dma_wait3A_233 : memref<50x1x128xf32, #tpu.memory_space<hbm>> -> memref<50x128xf32, #tpu.memory_space<hbm>>
    tpu.wait_dma2 semaphore(%arg12 : memref<!tpu.dma_semaphore, #tpu.memory_space<semaphore_mem>>) src(%arg8 : memref<50x128xf32, #tpu.memory_space<vmem>>) dst(%dma_wait3A_234 : memref<50x128xf32, #tpu.memory_space<hbm>>)
    %dma_wait3A_235 = arith.constant 0 : i32
    %dma_wait3A_236 = arith.constant 0 : i32
    %dma_wait3A_237 = tpu.memref_slice %arg4[%dma_wait3A_236, %dma_wait3A_235, %mul3A_26] : memref<50x64x4096xf32, #tpu.memory_space<hbm>> -> memref<50x1x128xf32, #tpu.memory_space<hbm>>
    %dma_wait3A_238 = tpu.memref_squeeze %dma_wait3A_237 : memref<50x1x128xf32, #tpu.memory_space<hbm>> -> memref<50x128xf32, #tpu.memory_space<hbm>>
    %dma_wait3A_239 = arith.constant 0 : i32
    %dma_wait3A_240 = tpu.memref_slice %arg4[%dma_wait3A_239, %dma_wait3A_235, %mul3A_26] : memref<50x64x4096xf32, #tpu.memory_space<hbm>> -> memref<50x1x128xf32, #tpu.memory_space<hbm>>
    %dma_wait3A_241 = tpu.memref_squeeze %dma_wait3A_240 : memref<50x1x128xf32, #tpu.memory_space<hbm>> -> memref<50x128xf32, #tpu.memory_space<hbm>>
    tpu.wait_dma2 semaphore(%arg13 : memref<!tpu.dma_semaphore, #tpu.memory_space<semaphore_mem>>) src(%arg9 : memref<50x128xf32, #tpu.memory_space<vmem>>) dst(%dma_wait3A_241 : memref<50x128xf32, #tpu.memory_space<hbm>>)
    return
  }
}

</mosaic_0001>

<sc_bundles>
// kernel: kernel.3.cloned.1.call-start
scs
__scs_entry_jumppad:
0x0: {  	(pc) =	sbr.rel $0x88, $3  }
0x1: {  	(tag) =	ssettag $0x0;
	lr =	simm.s32 $0x1  }
0x2: {  	[smem:$0x3F9F] =	sst lr;
	_ =	strace $0xD0000000  }
0x3: {  	_ = 	snop  }
0x4: {  	_ = 	snop  }
0x5: {  	_ = 	snop  }
0x6: {  	_ = 	snop  }
0x7: {  	_ = 	snop  }
__scs_overlays_trampoline_lowered:
0x8: {  	[smem:$0x3FAE] =	sst s0  }
0x9: {  	[smem:$0x3FAF] =	sst s1  }
0xa: {  	[smem:$0x3FB0] =	sst s2  }
0xb: {  	[smem:$0x3FB1] =	sst s3  }
0xc: {  	[smem:$0x3FB2] =	sst s4  }
0xd: {  	[smem:$0x3FB3] =	sst s5  }
0xe: {  	[smem:$0x3FB4] =	sst s6  }
0xf: {  	[smem:$0x3FB5] =	sst s7  }
0x10: {  	[smem:$0x3FB6] =	sst s8  }
0x11: {  	[smem:$0x3FB7] =	sst s9;
	s0 =	simm.s32 @!p0 $0x0  }
0x12: {  	s1 =	sld [smem:$0x3F9D];
	s0 =	simm.s32 @p0 $0x1  }
0x13: {  	[smem:$0x3FB8] =	sst s0;
	s0 =	simm.s32 @!p1 $0x0  }
0x14: {  	s2 =	sld [smem:$0x3F9C];
	s0 =	simm.s32 @p1 $0x1  }
0x15: {  	[smem:$0x3FB9] =	sst s0;
	s0 =	simm.s32 @!p2 $0x0  }
0x16: {  	s3 =	sld [smem:$0x3FDB];
	s0 =	simm.s32 @p2 $0x1  }
0x17: {  	s4 =	simm.s32 $0x1BF5;
	[smem:$0x3FBB] =	sst s0  }
0x18: {  	s0 =	sld [smem:$0x3F9E];
	_ =	swait.ge [sflag:s4], $0x0  }
0x19: {  	s7 =	sld [smem:$0x3F9F]  }
0x1a: {  	s8 =	sadd.s32 $0xFFFFE003, lr  }
0x1b: {  	s9 =	sadd.s32 $0xFFFFFEF7, lr;
	s5 =	simm.s32 $0xFFFFFFFF;
	p2 =	slt.u32 s8, $0xFFFFF086  }
0x1c: {  	p1 =	slt.u32 s9, $0xF7A;
	s5 =	simm.s32 @!p2 $0x0  }
0x1d: {  	s5 =	simm.s32 @p1 $0x1;
	p0 =	seq.s32 s7, s2  }
0x1e: {  	s7 =	smul.u32 @!p0 $0xF7A, s2;
	p2 =	seq.s32 @!p0 s5, $0x0  }
0x1f: {  	s9 =	smul.u32 $0xF7A, s1;
	s8 =	simm.s32 @!p0 $0x1BF5;
	p2 =	por !p2, p0  }
0x20: {  	[sflag:s8] =	ssyncset.s32 @!p0 $0xFFFFF086;
	s6 =	sadd.s32 @!p0 s3, s7;
	s7 =	simm.s32 @!p0 $0x108  }
0x21: {  	s3 =	sadd.s32 s3, s9;
	s6 =	sadd.s32 @!p0 $0x88, s6;
	s7 =	simm.s32 @p2 $0x1082  }
0x22: {  	[simem:s7], [sflag:s8] =	dma.local @!p0 [hbm:s6], $0xF7A  }
0x23: {  	s9 =	sor.u32 $0xD0000000, s2;
	s6 =	simm.s32 $0x108;
	_ =	swait.ge @!p0 [sflag:s8], $0x0  }
0x24: {  	s3 =	sadd.s32 $0x88, s3;
	s6 =	simm.s32 @!p1 $0x1082;
	[sflag:s4] =	ssyncset.s32 $0xFFFFF086  }
0x25: {  	[simem:s6], [sflag:s4] =	dma.local [hbm:s3], $0xF7A  }
0x26: {  	[smem:$0x3F9F] =	sst s1;
	(tag) =	ssettag s2;
	_ =	strace s9  }
0x27: {  	s1 =	sld [smem:$0x3FAF]  }
0x28: {  	s2 =	sld [smem:$0x3FB0]  }
0x29: {  	s4 =	sld [smem:$0x3FB2]  }
0x2a: {  	p0 =	seq.s32 s5, $0x0;
	s5 =	sld [smem:$0x3FB3]  }
0x2b: {  	s6 =	sld [smem:$0x3FB4]  }
0x2c: {  	s7 =	sld [smem:$0x3FB5]  }
0x2d: {  	s3 =	simm.s32 $0x108;
	s8 =	sld [smem:$0x3FB6]  }
0x2e: {  	s3 =	simm.s32 @!p0 $0x1082;
	s9 =	sld [smem:$0x3FB7]  }
0x2f: {  	lr =	sadd.s32 s0, s3;
	s0 =	sld [smem:$0x3FAE]  }
0x30: {  	s3 =	sld [smem:$0x3FB1]  }
0x31: {  	[smem:$0x3FBA] =	sst s10  }
0x32: {  	s10 =	sld [smem:$0x3FB8];
	_ =	sdelay $0x3  }
0x33: {  	p0 =	seq.s32 s10, $0x1;
	s10 =	sld [smem:$0x3FBA];
	_ =	sdelay $0x3  }
0x34: {  	[smem:$0x3FBA] =	sst s10  }
0x35: {  	s10 =	sld [smem:$0x3FB9];
	_ =	sdelay $0x3  }
0x36: {  	p1 =	seq.s32 s10, $0x1;
	s10 =	sld [smem:$0x3FBA];
	_ =	sdelay $0x3  }
0x37: {  	[smem:$0x3FBA] =	sst s10  }
0x38: {  	s10 =	sld [smem:$0x3FBB]  }
0x39: {  	_ = 	snop;
	(pc) =	sbr.ind lr, $3  }
0x3a: {  	_ = 	snop  }
0x3b: {  	_ = 	snop  }
0x3c: {  	p2 =	seq.s32 s10, $0x1;
	s10 =	sld [smem:$0x3FBA]  }
0x3d: {  	_ =	shalt  }
0x3e: {  	_ =	shalt  }
0x3f: {  	_ =	shalt  }
0x40: {  	_ =	shalt  }
0x41: {  	_ =	shalt  }
0x42: {  	_ =	shalt  }
0x43: {  	_ =	shalt  }
0x44: {  	_ =	shalt  }
0x45: {  	_ =	shalt  }
0x46: {  	_ =	shalt  }
0x47: {  	_ =	shalt  }
0x48: {  	_ =	shalt  }
0x49: {  	_ =	shalt  }
0x4a: {  	_ =	shalt  }
0x4b: {  	_ =	shalt  }
0x4c: {  	_ =	shalt  }
0x4d: {  	_ =	shalt  }
0x4e: {  	_ =	shalt  }
0x4f: {  	_ =	shalt  }
0x50: {  	_ =	shalt  }
0x51: {  	_ =	shalt  }
0x52: {  	_ =	shalt  }
0x53: {  	_ =	shalt  }
0x54: {  	_ =	shalt  }
0x55: {  	_ =	shalt  }
0x56: {  	_ =	shalt  }
0x57: {  	_ =	shalt  }
0x58: {  	_ =	shalt  }
0x59: {  	_ =	shalt  }
0x5a: {  	_ =	shalt  }
0x5b: {  	_ =	shalt  }
0x5c: {  	_ =	shalt  }
0x5d: {  	_ =	shalt  }
0x5e: {  	_ =	shalt  }
0x5f: {  	_ =	shalt  }
0x60: {  	_ =	shalt  }
0x61: {  	_ =	shalt  }
0x62: {  	_ =	shalt  }
0x63: {  	_ =	shalt  }
0x64: {  	_ =	shalt  }
0x65: {  	_ =	shalt  }
0x66: {  	_ =	shalt  }
0x67: {  	_ =	shalt  }
0x68: {  	_ =	shalt  }
0x69: {  	_ =	shalt  }
0x6a: {  	_ =	shalt  }
0x6b: {  	_ =	shalt  }
0x6c: {  	_ =	shalt  }
0x6d: {  	_ =	shalt  }
0x6e: {  	_ =	shalt  }
0x6f: {  	_ =	shalt  }
0x70: {  	_ =	shalt  }
0x71: {  	_ =	shalt  }
0x72: {  	_ =	shalt  }
0x73: {  	_ =	shalt  }
0x74: {  	_ =	shalt  }
0x75: {  	_ =	shalt  }
0x76: {  	_ =	shalt  }
0x77: {  	_ =	shalt  }
0x78: {  	_ =	shalt  }
0x79: {  	_ =	shalt  }
0x7a: {  	_ =	shalt  }
0x7b: {  	_ =	shalt  }
0x7c: {  	_ =	shalt  }
0x7d: {  	_ =	shalt  }
0x7e: {  	_ =	shalt  }
0x7f: {  	_ =	shalt  }
0x80: {  	_ =	shalt  }
0x81: {  	_ =	shalt  }
0x82: {  	_ =	shalt  }
0x83: {  	_ =	shalt  }
0x84: {  	_ =	shalt  }
0x85: {  	_ =	shalt  }
0x86: {  	_ =	shalt  }
0x87: {  	_ =	shalt  }
.Lfunc_end0:
.L_simem_size_0:
called_computation_lowered:
.L_overlay_start_0:
0x88: {  	s2 =	sld [smem:$0x3FD9]  }
0x89: {  	s3 =	sld [smem:$0x3FFE];
	_ =	sdelay $0x1  }
0x8a: {  	s1 =	srdreg.scid  }
0x8b: {  	s0 =	sand.u32 $0x1, s1  }
0x8c: {  	s18 =	sshll.u32 s0, $0xA;
	s2 =	sadd.s32 s3, s2  }
0x8d: {  	s2 =	sadd.s32 s2, s18  }
0x8e: {  	[smem:$0x3FC6] =	sst s2  }
0x8f: {  	_ = 	snop  }
0x90: {  	s2 =	sld [smem:$0x3FC9]  }
0x91: {  	s19 =	sld [smem:$0x3FC8]  }
0x92: {  	s4 =	sld [smem:$0x3FD0];
	(tm) =	ssettm $0x1  }
0x93: {  	s5 =	sld [smem:$0x3FFB];
	_ =	sdelay $0x3  }
0x94: {  	_ =	strace s5  }
0x95: {  	s5 =	sld [smem:$0x3FFC];
	_ =	sdelay $0x3  }
0x96: {  	_ =	strace s5  }
0x97: {  	s5 =	sld [smem:$0x3FFD];
	_ =	sdelay $0x3  }
0x98: {  	_ =	strace s5  }
0x99: {  	_ =	strace $0x8FFFFFFF  }
0x9a: {  	s20 =	sld [smem:$0x3FDB];
	_ =	sdelay $0x1  }
0x9b: {  	s6 =	simm.s32 $_scs_section_size  }
0x9c: {  	s7 =	simm.s32 $_size__tile_overlayer_lowered;
	s8 =	simm.s32 $_tile_overlayer_lowered  }
0x9d: {  	s23 =	simm.s32 $0x1BFF;
	s22 =	sshll.u32 s8, $0x1;
	s5 =	sadd.s32 s6, s20  }
0x9e: {  	s9 =	simm.s32 $0x0;
	s21 =	sshll.u32 s7, $0x1;
	s7 =	sadd.s32 s22, s5  }
0x9f: {  	[timem:s9], [sflag:s23] =	dma.local [hbm:s7], s21  }
0xa0: {  	_ =	swait.ge [sflag:s23], s21  }
0xa1: {  	s6 =	ssub.s32 $0x0, s21;
	[sflag:s23] =	ssyncset.done $0x0  }
0xa2: {  	[sflag:s23] =	ssyncadd.s32 s6;
	_ =	sdelay $0x1  }
0xa3: {  	s24 =	simm.s32 $0x1B8B  }
0xa4: {  	_ =	swait.ge [sflag:s24], $0x1  }
0xa5: {  	[sflag:s24] =	ssyncset.done $0x0  }
0xa6: {  	s25 =	simm.s32 $0x1B8E;
	[sflag:s24] =	ssyncadd.s32 $0xFFFFFFFF  }
0xa7: {  	s26 =	simm.s32 $execute0_lowered;
	[smem:$0x3FD2] =	sst s25  }
0xa8: {  	s6 =	sshll.u32 s26, $0x1;
	_ =	strace $0x80000046;
	[dreg:$0x1] =	wrdreg $0xFFFFFFFF  }
0xa9: {  	s28 =	simm.s32 $_size_execute0_lowered;
	s5 =	sadd.s32 s5, s6;
	[dreg:$0x0] =	wrdreg $0x0  }
0xaa: {  	s6 =	sshll.u32 s28, $0x1;
	[dreg:$0x2] =	wrdreg s5  }
0xab: {  	[dreg:$0x3] =	wrdreg s6  }
0xac: {  	[dreg:$0x4] =	wrdreg $0xC0  }
0xad: {  	_ =	task [dreg:s9], $0x5FFFF  }
0xae: {  	[dreg:$0x1] =	wrdreg $0xFFFFFFFF  }
0xaf: {  	[dreg:$0x0] =	wrdreg $0x60  }
0xb0: {  	[dreg:$0x2] =	wrdreg s2  }
0xb1: {  	[dreg:$0x3] =	wrdreg s19  }
0xb2: {  	[dreg:$0x4] =	wrdreg s4  }
0xb3: {  	[dreg:$0x5] =	wrdreg $0x9  }
0xb4: {  	_ =	task.clear_ibuf [dreg:s9], $0x6FFFF;
	_ =	strace $0x90000046  }
0xb5: {  	s29 =	simm.s32 $0x9;
	_ =	strace $0x80000048  }
0xb6: {  	_ =	swait.ge [sflag:s29], $0x1  }
0xb7: {  	[sflag:s29] =	ssyncadd.s32 $0xFFFFFFFF  }
0xb8: {  	_ =	strace $0x90000048  }
0xb9: {  	_ =	sfence  }
0xba: {  	s30 =	sld [smem:$0x0];
	_ =	sdelay $0x2  }
0xbb: {  	s31 =	sshll.u32 s1, $0xD;
	s1 =	sshrl.u32 s1, $0x2  }
0xbc: {  	s3 =	sand.u32 $0x4000, s31;
	s1 =	sadd.s32 s1, s30  }
0xbd: {  	s0 =	sor.u32 s3, s0;
	s1 =	sshll.u32 s1, $0x11  }
0xbe: {  	s0 =	sor.u32 s1, s0  }
0xbf: {  	s0 =	sadd.s32 $0x8F2B, s0  }
0xc0: {  	[sflag:s0] =	ssyncadd.remote.s32 $0x1  }
0xc1: {  	_ =	sfence.sel $0xFFFF  }
0xc2: {  	[dreg:$0x0] =	wrdreg $0xFFFFFFFF;
	(pc) =	sbr.abs _section_cstart, $3  }
0xc3: {  	[dreg:$0x1] =	wrdreg $0xFFFFFFFF  }
0xc4: {  	_ =	task.clear_ibuf [dreg:s9], $0x2FFFF;
	_ =	strace $0x9FFFFFFF  }
0xc5: {  	(tm) =	ssettm $0x7FFFFFFF  }
tec
execute0_lowered:
.L_overlay_start_1:
0x0: {  	(tag) =	ssettag $0x1  }
0x1: {  	s1 =	rddreg [dreg:$0x0]  }
0x2: {  	s0 =	srdreg.scid;
	s2 =	rddreg [dreg:$0x1]  }
0x3: {  	s4 =	stileid.u32;
	s3 =	rddreg [dreg:$0x2]  }
0x4: {  	s6 =	simm.s32 $0x0;
	s28 =	simm.s32 $0x40000;
	s29 =	simm.s32 $0x1C00  }
0x5: {  	s30 =	simm.s32 $0x4E00;
	s31 =	simm.s32 $0xB200;
	s0 =	sand.u32 $0x1, s0  }
0x6: {  	s10 =	simm.s32 $0x0;
	s4 =	sshll.u32 s4, $0xB;
	s5 =	sshll.u32 s0, $0xA  }
0x7: {  	[smem:$0x7FF] =	sst s6;
	s8 =	sadd.s32 $0x320000, s1;
	s5 =	sor.u32 s5, s4  }
0x8: {  	s0 =	ssub.s32 $0x2, s0;
	_ =	strace $0x80000047;
	s4 =	sshrl.u32 s5, $0x3  }
0x9: {  	s7 =	sshrl.u32 s0, $0x1;
	s6 =	sadd.s32 s2, s4;
	s19 =	sadd.s32 s4, s8  }
0xa: {  	s20 =	sor.u32 $0x10, s4;
	s2 =	sadd.s32 $0x6000, s6;
	[dreg:$0x5] =	wrdreg s19  }
0xb: {  	s9 =	sadd.s32 s1, s4;
	s21 =	sadd.s32 s1, s20;
	[dreg:$0x4] =	wrdreg s2  }
0xc: {  	s0 =	ssub.s32 s0, s7;
	s22 =	sadd.s32 $0x320010, s9;
	[dreg:$0x6] =	wrdreg s21  }
0xd: {  	s7 =	simm.s32 $0x4;
	s23 =	sadd.s32 $0x20, s9;
	[dreg:$0x7] =	wrdreg s22  }
0xe: {  	s13 =	sadd.s32 s3, s4;
	s24 =	sadd.s32 $0x320020, s9;
	[dreg:$0x8] =	wrdreg s23  }
0xf: {  	s4 =	simm.s32 $0x3;
	s25 =	sadd.s32 $0x30, s9;
	[dreg:$0x9] =	wrdreg s24  }
0x10: {  	s26 =	sadd.s32 $0x320030, s9;
	s19 =	sadd.s32 $0x7060, s13;
	[dreg:$0xb] =	wrdreg s25  }
0x11: {  	v0 =	vlaneseq.u32;
	s2 =	sadd.s32 s3, s20;
	[dreg:$0xc] =	wrdreg s26;
	s20 =	sadd.s32 $0x7070, s13  }
0x12: {  	v1 =	vor.u32 $0x10, v0;
	s21 =	smax.u32 s0, $0x1;
	s23 =	simm.s32 $0x8000;
	s25 =	simm.s32 $0x5  }
0x13: {  	v2 =	vor.u32 $0x20, v0;
	v3 =	vor.u32 $0x30, v0;
	v4 =	vor.u32 $0x40, v0;
	s26 =	simm.s32 $0x80;
	s0 =	simm.s32 $0xE400;
	s22 =	simm.s32 $0x2  }
0x14: {  	v5 =	vor.u32 $0x50, v0;
	v6 =	vor.u32 $0x60, v0;
	v7 =	vor.u32 $0x70, v0;
	s24 =	simm.s32 $0x10000;
	[dreg:$0xa] =	wrdreg s2;
	s2 =	simm.s32 $0x1  }
.LBB2_1:
0x15: {  	s11 =	simm.s32 $0x0;
	s12 =	simm.s32 $0x400  }
0x16: {  	[tilespmem:s11], [sflag:$0x5] =	stream.strided.gather [hbm4b:s6+s12], $0x1800, s23, s12, $0x38;
	[tilespmem:$0x11C00] =	vst v63  }
0x17: {  	s15 =	rddreg [dreg:$0x4];
	s14 =	simm.s32 $0x1800  }
0x18: {  	[tilespmem:s14], [sflag:$0x5] =	stream.linear.gather [hbm4b:s15+s11], $0x100, $0x38;
	[tilespmem:$0x11C00] =	vst v63  }
0x19: {  	_ =	swait.ge [sflag:s25], $0x1900  }
0x1a: {  	[sflag:s25] =	ssyncset.done $0x0  }
0x1b: {  	[sflag:s25] =	ssyncadd.s32 $0xFFFFE700  }
0x1c: {  	[tilespmem:s29], [sflag:$0x1] =	stream.strided.gather [hbm4b:s9+s26], $0x3200, s28, s26, $0x38;
	[tilespmem:$0x11C00] =	vst v63  }
0x1d: {  	s16 =	rddreg [dreg:$0x5]  }
0x1e: {  	[tilespmem:s30], [sflag:$0x1] =	stream.strided.gather [hbm4b:s16+s26], $0x3200, s28, s26, $0x38;
	[tilespmem:$0x11C00] =	vst v63  }
0x1f: {  	s17 =	rddreg [dreg:$0x6]  }
0x20: {  	[tilespmem:s23], [sflag:$0x2] =	stream.strided.gather [hbm4b:s17+s26], $0x3200, s28, s26, $0x38;
	[tilespmem:$0x11C00] =	vst v63  }
0x21: {  	s18 =	rddreg [dreg:$0x7]  }
0x22: {  	[tilespmem:s31], [sflag:$0x2] =	stream.strided.gather [hbm4b:s18+s26], $0x3200, s28, s26, $0x38;
	[tilespmem:$0x11C00] =	vst v63  }
0x23: {  	_ =	swait.ge [sflag:s2], $0x6400  }
0x24: {  	[sflag:s2] =	ssyncset.done $0x0  }
0x25: {  	s11 =	simm.s32 $0x0;
	[sflag:s2] =	ssyncadd.s32 $0xFFFF9C00  }
0x26: {  	v8 =	vld [tilespmem:s11+$0x0];
	_ =	sdelay $0x4  }
0x27: {  	v8 =	vshll.u32 v8, $0x7  }
0x28: {  	v9 =	vld [tilespmem:s11+$0x10];
	v8 =	vor.u32 v0, v8;
	_ =	sdelay $0x4  }
0x29: {  	v9 =	vshll.u32 v9, $0x7;
	v8 =	vld.idx.msk [tilespmem:v8+s29+$0x0], $0xffff  }
0x2a: {  	v10 =	vld [tilespmem:s11+$0x20];
	v9 =	vor.u32 v1, v9;
	_ =	sdelay $0x3  }
0x2b: {  	[tilespmem:s11+$0xE400] =	vst v8  }
0x2c: {  	v8 =	vld.idx.msk [tilespmem:v9+s29+$0x0], $0xffff;
	v9 =	vshll.u32 v10, $0x7  }
0x2d: {  	v10 =	vld [tilespmem:s11+$0x30];
	v9 =	vor.u32 v2, v9;
	_ =	sdelay $0x3  }
0x2e: {  	[tilespmem:s11+$0xE410] =	vst v8  }
0x2f: {  	v8 =	vld.idx.msk [tilespmem:v9+s29+$0x0], $0xffff;
	v9 =	vshll.u32 v10, $0x7  }
0x30: {  	v10 =	vld [tilespmem:s11+$0x40];
	v9 =	vor.u32 v3, v9;
	_ =	sdelay $0x3  }
0x31: {  	[tilespmem:s11+$0xE420] =	vst v8  }
0x32: {  	v8 =	vld.idx.msk [tilespmem:v9+s29+$0x0], $0xffff;
	v9 =	vshll.u32 v10, $0x7  }
0x33: {  	v10 =	vld [tilespmem:s11+$0x50];
	v9 =	vor.u32 v4, v9;
	_ =	sdelay $0x3  }
0x34: {  	[tilespmem:s11+$0xE430] =	vst v8  }
0x35: {  	v8 =	vld.idx.msk [tilespmem:v9+s29+$0x0], $0xffff;
	v9 =	vshll.u32 v10, $0x7  }
0x36: {  	v10 =	vld [tilespmem:s11+$0x60];
	v9 =	vor.u32 v5, v9;
	_ =	sdelay $0x3  }
0x37: {  	[tilespmem:s11+$0xE440] =	vst v8  }
0x38: {  	v8 =	vld.idx.msk [tilespmem:v9+s29+$0x0], $0xffff;
	v9 =	vshll.u32 v10, $0x7  }
0x39: {  	v10 =	vld [tilespmem:s11+$0x70];
	v9 =	vor.u32 v6, v9;
	_ =	sdelay $0x3  }
0x3a: {  	[tilespmem:s11+$0xE450] =	vst v8  }
0x3b: {  	v10 =	vshll.u32 v10, $0x7;
	v8 =	vld.idx.msk [tilespmem:v9+s29+$0x0], $0xffff  }
0x3c: {  	s12 =	simm.s32 $0x400;
	s14 =	simm.s32 $0x80;
	v9 =	vor.u32 v7, v10  }
.LBB2_2:
0x3d: {  	p0 =	sne.s32 s12, $0x6200;
	v10 =	vld [tilespmem:s14+$0x0];
	_ =	sdelay $0x2  }
0x3e: {  	[tilespmem:s11+$0xE460] =	vst v8  }
0x3f: {  	v8 =	vld.idx.msk [tilespmem:v9+s29+$0x0], $0xffff  }
0x40: {  	v9 =	vshll.u32 v10, $0x7  }
0x41: {  	v9 =	vor.u32 v0, v9  }
0x42: {  	v10 =	vld [tilespmem:s14+$0x10];
	_ =	sdelay $0x2  }
0x43: {  	[tilespmem:s11+$0xE470] =	vst v8;
	s11 =	smov.u32 s14  }
0x44: {  	v8 =	vld.idx.msk [tilespmem:v9+s29+$0x0], $0xffff  }
0x45: {  	v9 =	vshll.u32 v10, $0x7  }
0x46: {  	v9 =	vor.u32 v1, v9  }
0x47: {  	v10 =	vld [tilespmem:s11+$0x20];
	_ =	sdelay $0x2  }
0x48: {  	[tilespmem:s11+$0xE400] =	vst v8  }
0x49: {  	v8 =	vld.idx.msk [tilespmem:v9+s29+$0x0], $0xffff  }
0x4a: {  	v9 =	vshll.u32 v10, $0x7  }
0x4b: {  	v9 =	vor.u32 v2, v9  }
0x4c: {  	v10 =	vld [tilespmem:s11+$0x30];
	_ =	sdelay $0x2  }
0x4d: {  	[tilespmem:s11+$0xE410] =	vst v8  }
0x4e: {  	v8 =	vld.idx.msk [tilespmem:v9+s29+$0x0], $0xffff  }
0x4f: {  	v9 =	vshll.u32 v10, $0x7  }
0x50: {  	v9 =	vor.u32 v3, v9  }
0x51: {  	v10 =	vld [tilespmem:s11+$0x40];
	_ =	sdelay $0x2  }
0x52: {  	[tilespmem:s11+$0xE420] =	vst v8  }
0x53: {  	v8 =	vld.idx.msk [tilespmem:v9+s29+$0x0], $0xffff  }
0x54: {  	v9 =	vshll.u32 v10, $0x7  }
0x55: {  	v9 =	vor.u32 v4, v9  }
0x56: {  	v10 =	vld [tilespmem:s11+$0x50];
	_ =	sdelay $0x2  }
0x57: {  	[tilespmem:s11+$0xE430] =	vst v8  }
0x58: {  	v8 =	vld.idx.msk [tilespmem:v9+s29+$0x0], $0xffff  }
0x59: {  	v9 =	vshll.u32 v10, $0x7  }
0x5a: {  	v9 =	vor.u32 v5, v9  }
0x5b: {  	v10 =	vld [tilespmem:s11+$0x60];
	_ =	sdelay $0x2  }
0x5c: {  	[tilespmem:s11+$0xE440] =	vst v8  }
0x5d: {  	v8 =	vld.idx.msk [tilespmem:v9+s29+$0x0], $0xffff  }
0x5e: {  	v9 =	vshll.u32 v10, $0x7  }
0x5f: {  	v9 =	vor.u32 v6, v9  }
0x60: {  	v10 =	vld [tilespmem:s11+$0x70];
	_ =	sdelay $0x1  }
.Ltmp0:
0x61: {  	(pc) =	sbr.rel @p0 .LBB2_2-.Ltmp0, $4  }
0x62: {  	[tilespmem:s11+$0xE450] =	vst v8  }
0x63: {  	v8 =	vld.idx.msk [tilespmem:v9+s29+$0x0], $0xffff  }
0x64: {  	v9 =	vshll.u32 v10, $0x7  }
0x65: {  	s14 =	sshra.s32 s12, $0x2;
	s12 =	sadd.s32 $0x200, s12;
	v9 =	vor.u32 v7, v9  }
0x66: {  	v10 =	vld [tilespmem:s14+$0x0];
	_ =	sdelay $0x3  }
0x67: {  	[tilespmem:s11+$0xE460] =	vst v8  }
0x68: {  	v8 =	vld.idx.msk [tilespmem:v9+s29+$0x0], $0xffff;
	v9 =	vshll.u32 v10, $0x7  }
0x69: {  	v10 =	vld [tilespmem:s14+$0x10];
	v9 =	vor.u32 v0, v9;
	_ =	sdelay $0x3  }
0x6a: {  	[tilespmem:s11+$0xE470] =	vst v8  }
0x6b: {  	v8 =	vld.idx.msk [tilespmem:v9+s29+$0x0], $0xffff;
	v9 =	vshll.u32 v10, $0x7  }
0x6c: {  	v10 =	vld [tilespmem:s14+$0x20];
	v9 =	vor.u32 v1, v9;
	_ =	sdelay $0x3  }
0x6d: {  	[tilespmem:s14+$0xE400] =	vst v8  }
0x6e: {  	v8 =	vld.idx.msk [tilespmem:v9+s29+$0x0], $0xffff;
	v9 =	vshll.u32 v10, $0x7  }
0x6f: {  	v10 =	vld [tilespmem:s14+$0x30];
	v9 =	vor.u32 v2, v9;
	_ =	sdelay $0x3  }
0x70: {  	[tilespmem:s14+$0xE410] =	vst v8  }
0x71: {  	v8 =	vld.idx.msk [tilespmem:v9+s29+$0x0], $0xffff;
	v9 =	vshll.u32 v10, $0x7  }
0x72: {  	v10 =	vld [tilespmem:s14+$0x40];
	v9 =	vor.u32 v3, v9;
	_ =	sdelay $0x3  }
0x73: {  	[tilespmem:s14+$0xE420] =	vst v8  }
0x74: {  	v8 =	vld.idx.msk [tilespmem:v9+s29+$0x0], $0xffff;
	v9 =	vshll.u32 v10, $0x7  }
0x75: {  	v10 =	vld [tilespmem:s14+$0x50];
	v9 =	vor.u32 v4, v9;
	_ =	sdelay $0x3  }
0x76: {  	[tilespmem:s14+$0xE430] =	vst v8  }
0x77: {  	v8 =	vld.idx.msk [tilespmem:v9+s29+$0x0], $0xffff;
	v9 =	vshll.u32 v10, $0x7  }
0x78: {  	v10 =	vld [tilespmem:s14+$0x60];
	v9 =	vor.u32 v5, v9;
	_ =	sdelay $0x3  }
0x79: {  	[tilespmem:s14+$0xE440] =	vst v8  }
0x7a: {  	v8 =	vld.idx.msk [tilespmem:v9+s29+$0x0], $0xffff;
	v9 =	vshll.u32 v10, $0x7  }
0x7b: {  	v10 =	vld [tilespmem:s14+$0x70];
	v9 =	vor.u32 v6, v9;
	_ =	sdelay $0x3  }
0x7c: {  	[tilespmem:s14+$0xE450] =	vst v8  }
0x7d: {  	v8 =	vld.idx.msk [tilespmem:v9+s29+$0x0], $0xffff;
	v9 =	vshll.u32 v10, $0x7  }
0x7e: {  	v9 =	vor.u32 v7, v9;
	_ =	sdelay $0x3  }
0x7f: {  	[tilespmem:s14+$0xE460] =	vst v8  }
0x80: {  	v8 =	vld.idx.msk [tilespmem:v9+s29+$0x0], $0xffff;
	_ =	sdelay $0x4  }
0x81: {  	[tilespmem:s14+$0xE470] =	vst v8  }
0x82: {  	[hbm4b:s13+s26] =	stream.strided.scatter [tilespmem:s0], [sflag:$0x3], $0x1900, s28, s26, $0x38;
	[tilespmem:$0x11C00] =	vst v63  }
0x83: {  	s17 =	rddreg [dreg:$0x8]  }
0x84: {  	[tilespmem:s29], [sflag:$0x1] =	stream.strided.gather [hbm4b:s17+s26], $0x3200, s28, s26, $0x38;
	[tilespmem:$0x11C00] =	vst v63  }
0x85: {  	s18 =	rddreg [dreg:$0x9]  }
0x86: {  	[tilespmem:s30], [sflag:$0x1] =	stream.strided.gather [hbm4b:s18+s26], $0x3200, s28, s26, $0x38;
	[tilespmem:$0x11C00] =	vst v63  }
0x87: {  	_ =	swait.ge [sflag:s22], $0x6400  }
0x88: {  	[sflag:s22] =	ssyncset.done $0x0  }
0x89: {  	s11 =	simm.s32 $0x0;
	[sflag:s22] =	ssyncadd.s32 $0xFFFF9C00  }
0x8a: {  	v8 =	vld [tilespmem:s11+$0x0];
	_ =	sdelay $0x4  }
0x8b: {  	v8 =	vshll.u32 v8, $0x7  }
0x8c: {  	v9 =	vld [tilespmem:s11+$0x10];
	v8 =	vor.u32 v0, v8;
	_ =	sdelay $0x4  }
0x8d: {  	v9 =	vshll.u32 v9, $0x7;
	v8 =	vld.idx.msk [tilespmem:v8+s23+$0x0], $0xffff  }
0x8e: {  	v10 =	vld [tilespmem:s11+$0x20];
	v9 =	vor.u32 v1, v9;
	_ =	sdelay $0x3  }
0x8f: {  	[tilespmem:s11+$0x10000] =	vst v8  }
0x90: {  	v8 =	vld.idx.msk [tilespmem:v9+s23+$0x0], $0xffff;
	v9 =	vshll.u32 v10, $0x7  }
0x91: {  	v10 =	vld [tilespmem:s11+$0x30];
	v9 =	vor.u32 v2, v9;
	_ =	sdelay $0x3  }
0x92: {  	[tilespmem:s11+$0x10010] =	vst v8  }
0x93: {  	v8 =	vld.idx.msk [tilespmem:v9+s23+$0x0], $0xffff;
	v9 =	vshll.u32 v10, $0x7  }
0x94: {  	v10 =	vld [tilespmem:s11+$0x40];
	v9 =	vor.u32 v3, v9;
	_ =	sdelay $0x3  }
0x95: {  	[tilespmem:s11+$0x10020] =	vst v8  }
0x96: {  	v8 =	vld.idx.msk [tilespmem:v9+s23+$0x0], $0xffff;
	v9 =	vshll.u32 v10, $0x7  }
0x97: {  	v10 =	vld [tilespmem:s11+$0x50];
	v9 =	vor.u32 v4, v9;
	_ =	sdelay $0x3  }
0x98: {  	[tilespmem:s11+$0x10030] =	vst v8  }
0x99: {  	v8 =	vld.idx.msk [tilespmem:v9+s23+$0x0], $0xffff;
	v9 =	vshll.u32 v10, $0x7  }
0x9a: {  	v10 =	vld [tilespmem:s11+$0x60];
	v9 =	vor.u32 v5, v9;
	_ =	sdelay $0x3  }
0x9b: {  	[tilespmem:s11+$0x10040] =	vst v8  }
0x9c: {  	v8 =	vld.idx.msk [tilespmem:v9+s23+$0x0], $0xffff;
	v9 =	vshll.u32 v10, $0x7  }
0x9d: {  	v10 =	vld [tilespmem:s11+$0x70];
	v9 =	vor.u32 v6, v9;
	_ =	sdelay $0x3  }
0x9e: {  	[tilespmem:s11+$0x10050] =	vst v8  }
0x9f: {  	v10 =	vshll.u32 v10, $0x7;
	v8 =	vld.idx.msk [tilespmem:v9+s23+$0x0], $0xffff  }
0xa0: {  	s12 =	simm.s32 $0x400;
	s14 =	simm.s32 $0x80;
	v9 =	vor.u32 v7, v10  }
.LBB2_4:
0xa1: {  	p0 =	sne.s32 s12, $0x6200;
	v10 =	vld [tilespmem:s14+$0x0];
	_ =	sdelay $0x2  }
0xa2: {  	[tilespmem:s11+$0x10060] =	vst v8  }
0xa3: {  	v8 =	vld.idx.msk [tilespmem:v9+s23+$0x0], $0xffff  }
0xa4: {  	v9 =	vshll.u32 v10, $0x7  }
0xa5: {  	v9 =	vor.u32 v0, v9  }
0xa6: {  	v10 =	vld [tilespmem:s14+$0x10];
	_ =	sdelay $0x2  }
0xa7: {  	[tilespmem:s11+$0x10070] =	vst v8;
	s11 =	smov.u32 s14  }
0xa8: {  	v8 =	vld.idx.msk [tilespmem:v9+s23+$0x0], $0xffff  }
0xa9: {  	v9 =	vshll.u32 v10, $0x7  }
0xaa: {  	v9 =	vor.u32 v1, v9  }
0xab: {  	v10 =	vld [tilespmem:s11+$0x20];
	_ =	sdelay $0x2  }
0xac: {  	[tilespmem:s11+$0x10000] =	vst v8  }
0xad: {  	v8 =	vld.idx.msk [tilespmem:v9+s23+$0x0], $0xffff  }
0xae: {  	v9 =	vshll.u32 v10, $0x7  }
0xaf: {  	v9 =	vor.u32 v2, v9  }
0xb0: {  	v10 =	vld [tilespmem:s11+$0x30];
	_ =	sdelay $0x2  }
0xb1: {  	[tilespmem:s11+$0x10010] =	vst v8  }
0xb2: {  	v8 =	vld.idx.msk [tilespmem:v9+s23+$0x0], $0xffff  }
0xb3: {  	v9 =	vshll.u32 v10, $0x7  }
0xb4: {  	v9 =	vor.u32 v3, v9  }
0xb5: {  	v10 =	vld [tilespmem:s11+$0x40];
	_ =	sdelay $0x2  }
0xb6: {  	[tilespmem:s11+$0x10020] =	vst v8  }
0xb7: {  	v8 =	vld.idx.msk [tilespmem:v9+s23+$0x0], $0xffff  }
0xb8: {  	v9 =	vshll.u32 v10, $0x7  }
0xb9: {  	v9 =	vor.u32 v4, v9  }
0xba: {  	v10 =	vld [tilespmem:s11+$0x50];
	_ =	sdelay $0x2  }
0xbb: {  	[tilespmem:s11+$0x10030] =	vst v8  }
0xbc: {  	v8 =	vld.idx.msk [tilespmem:v9+s23+$0x0], $0xffff  }
0xbd: {  	v9 =	vshll.u32 v10, $0x7  }
0xbe: {  	v9 =	vor.u32 v5, v9  }
0xbf: {  	v10 =	vld [tilespmem:s11+$0x60];
	_ =	sdelay $0x2  }
0xc0: {  	[tilespmem:s11+$0x10040] =	vst v8  }
0xc1: {  	v8 =	vld.idx.msk [tilespmem:v9+s23+$0x0], $0xffff  }
0xc2: {  	v9 =	vshll.u32 v10, $0x7  }
0xc3: {  	v9 =	vor.u32 v6, v9  }
0xc4: {  	v10 =	vld [tilespmem:s11+$0x70];
	_ =	sdelay $0x1  }
.Ltmp1:
0xc5: {  	(pc) =	sbr.rel @p0 .LBB2_4-.Ltmp1, $4  }
0xc6: {  	[tilespmem:s11+$0x10050] =	vst v8  }
0xc7: {  	v8 =	vld.idx.msk [tilespmem:v9+s23+$0x0], $0xffff  }
0xc8: {  	v9 =	vshll.u32 v10, $0x7  }
0xc9: {  	s14 =	sshra.s32 s12, $0x2;
	s12 =	sadd.s32 $0x200, s12;
	v9 =	vor.u32 v7, v9  }
0xca: {  	v10 =	vld [tilespmem:s14+$0x0];
	_ =	sdelay $0x3  }
0xcb: {  	[tilespmem:s11+$0x10060] =	vst v8  }
0xcc: {  	v8 =	vld.idx.msk [tilespmem:v9+s23+$0x0], $0xffff;
	v49 =	vshll.u32 v10, $0x7  }
0xcd: {  	v50 =	vld [tilespmem:s14+$0x10];
	v9 =	vor.u32 v0, v49;
	_ =	sdelay $0x3  }
0xce: {  	[tilespmem:s11+$0x10070] =	vst v8  }
0xcf: {  	v51 =	vshll.u32 v50, $0x7;
	v8 =	vld.idx.msk [tilespmem:v9+s23+$0x0], $0xffff  }
0xd0: {  	v52 =	vld [tilespmem:s14+$0x20];
	v9 =	vor.u32 v1, v51;
	_ =	sdelay $0x3  }
0xd1: {  	[tilespmem:s14+$0x10000] =	vst v8  }
0xd2: {  	v53 =	vshll.u32 v52, $0x7;
	v8 =	vld.idx.msk [tilespmem:v9+s23+$0x0], $0xffff  }
0xd3: {  	v54 =	vld [tilespmem:s14+$0x30];
	v9 =	vor.u32 v2, v53;
	_ =	sdelay $0x3  }
0xd4: {  	[tilespmem:s14+$0x10010] =	vst v8  }
0xd5: {  	v55 =	vshll.u32 v54, $0x7;
	v8 =	vld.idx.msk [tilespmem:v9+s23+$0x0], $0xffff  }
0xd6: {  	v56 =	vld [tilespmem:s14+$0x40];
	v9 =	vor.u32 v3, v55;
	_ =	sdelay $0x3  }
0xd7: {  	[tilespmem:s14+$0x10020] =	vst v8  }
0xd8: {  	v57 =	vshll.u32 v56, $0x7;
	v8 =	vld.idx.msk [tilespmem:v9+s23+$0x0], $0xffff  }
0xd9: {  	v58 =	vld [tilespmem:s14+$0x50];
	v9 =	vor.u32 v4, v57;
	_ =	sdelay $0x3  }
0xda: {  	[tilespmem:s14+$0x10030] =	vst v8  }
0xdb: {  	v59 =	vshll.u32 v58, $0x7;
	v8 =	vld.idx.msk [tilespmem:v9+s23+$0x0], $0xffff  }
0xdc: {  	v60 =	vld [tilespmem:s14+$0x60];
	v9 =	vor.u32 v5, v59;
	_ =	sdelay $0x3  }
0xdd: {  	[tilespmem:s14+$0x10040] =	vst v8  }
0xde: {  	v61 =	vshll.u32 v60, $0x7;
	v8 =	vld.idx.msk [tilespmem:v9+s23+$0x0], $0xffff  }
0xdf: {  	v62 =	vld [tilespmem:s14+$0x70];
	v9 =	vor.u32 v6, v61;
	_ =	sdelay $0x3  }
0xe0: {  	[tilespmem:s14+$0x10050] =	vst v8  }
0xe1: {  	v63 =	vshll.u32 v62, $0x7;
	v8 =	vld.idx.msk [tilespmem:v9+s23+$0x0], $0xffff  }
0xe2: {  	v9 =	vor.u32 v7, v63;
	_ =	sdelay $0x3  }
0xe3: {  	[tilespmem:s14+$0x10060] =	vst v8  }
0xe4: {  	v8 =	vld.idx.msk [tilespmem:v9+s23+$0x0], $0xffff;
	_ =	sdelay $0x4  }
0xe5: {  	s16 =	rddreg [dreg:$0xa];
	[tilespmem:s14+$0x10070] =	vst v8  }
0xe6: {  	[hbm4b:s16+s26] =	stream.strided.scatter [tilespmem:s24], [sflag:$0x4], $0x1900, s28, s26, $0x38;
	[tilespmem:$0x11C00] =	vst v63  }
0xe7: {  	s17 =	rddreg [dreg:$0xb]  }
0xe8: {  	[tilespmem:s23], [sflag:$0x2] =	stream.strided.gather [hbm4b:s17+s26], $0x3200, s28, s26, $0x38;
	[tilespmem:$0x11C00] =	vst v63  }
0xe9: {  	s18 =	rddreg [dreg:$0xc];
	s11 =	simm.s32 $0x1  }
0xea: {  	[tilespmem:s31], [sflag:$0x2] =	stream.strided.gather [hbm4b:s18+s26], $0x3200, s28, s26, $0x38;
	[tilespmem:$0x11C00] =	vst v63  }
.LBB2_6:
0xeb: {  	_ =	swait.ge [sflag:s2], $0x6400  }
0xec: {  	[sflag:s2] =	ssyncset.done $0x0  }
0xed: {  	[sflag:s2] =	ssyncadd.s32 $0xFFFF9C00  }
0xee: {  	_ =	swait.ge [sflag:s4], $0x1900  }
0xef: {  	[sflag:s4] =	ssyncset.done $0x0  }
0xf0: {  	s12 =	simm.s32 $0x0;
	[sflag:s4] =	ssyncadd.s32 $0xFFFFE700  }
0xf1: {  	v8 =	vld [tilespmem:s12+$0x0];
	_ =	sdelay $0x4  }
0xf2: {  	v8 =	vshll.u32 v8, $0x7  }
0xf3: {  	v9 =	vld [tilespmem:s12+$0x10];
	v8 =	vor.u32 v0, v8;
	_ =	sdelay $0x4  }
0xf4: {  	v9 =	vshll.u32 v9, $0x7;
	v8 =	vld.idx.msk [tilespmem:v8+s29+$0x0], $0xffff  }
0xf5: {  	v10 =	vld [tilespmem:s12+$0x20];
	v9 =	vor.u32 v1, v9;
	_ =	sdelay $0x3  }
0xf6: {  	[tilespmem:s12+$0xE400] =	vst v8  }
0xf7: {  	v8 =	vld.idx.msk [tilespmem:v9+s29+$0x0], $0xffff;
	v9 =	vshll.u32 v10, $0x7  }
0xf8: {  	v10 =	vld [tilespmem:s12+$0x30];
	v9 =	vor.u32 v2, v9;
	_ =	sdelay $0x3  }
0xf9: {  	[tilespmem:s12+$0xE410] =	vst v8  }
0xfa: {  	v8 =	vld.idx.msk [tilespmem:v9+s29+$0x0], $0xffff;
	v9 =	vshll.u32 v10, $0x7  }
0xfb: {  	v10 =	vld [tilespmem:s12+$0x40];
	v9 =	vor.u32 v3, v9;
	_ =	sdelay $0x3  }
0xfc: {  	[tilespmem:s12+$0xE420] =	vst v8  }
0xfd: {  	v8 =	vld.idx.msk [tilespmem:v9+s29+$0x0], $0xffff;
	v9 =	vshll.u32 v10, $0x7  }
0xfe: {  	v10 =	vld [tilespmem:s12+$0x50];
	v9 =	vor.u32 v4, v9;
	_ =	sdelay $0x3  }
0xff: {  	[tilespmem:s12+$0xE430] =	vst v8  }
0x100: {  	v8 =	vld.idx.msk [tilespmem:v9+s29+$0x0], $0xffff;
	v9 =	vshll.u32 v10, $0x7  }
0x101: {  	v10 =	vld [tilespmem:s12+$0x60];
	v9 =	vor.u32 v5, v9;
	_ =	sdelay $0x3  }
0x102: {  	[tilespmem:s12+$0xE440] =	vst v8  }
0x103: {  	v8 =	vld.idx.msk [tilespmem:v9+s29+$0x0], $0xffff;
	v9 =	vshll.u32 v10, $0x7  }
0x104: {  	v10 =	vld [tilespmem:s12+$0x70];
	v9 =	vor.u32 v6, v9;
	_ =	sdelay $0x3  }
0x105: {  	[tilespmem:s12+$0xE450] =	vst v8  }
0x106: {  	v10 =	vshll.u32 v10, $0x7;
	v8 =	vld.idx.msk [tilespmem:v9+s29+$0x0], $0xffff  }
0x107: {  	s16 =	simm.s32 $0x80;
	s14 =	simm.s32 $0x400;
	v9 =	vor.u32 v7, v10  }
.LBB2_7:
0x108: {  	p0 =	sne.s32 s14, $0x6200;
	v10 =	vld [tilespmem:s16+$0x0];
	_ =	sdelay $0x2  }
0x109: {  	[tilespmem:s12+$0xE460] =	vst v8  }
0x10a: {  	v8 =	vld.idx.msk [tilespmem:v9+s29+$0x0], $0xffff  }
0x10b: {  	v9 =	vshll.u32 v10, $0x7  }
0x10c: {  	v9 =	vor.u32 v0, v9  }
0x10d: {  	v10 =	vld [tilespmem:s16+$0x10];
	_ =	sdelay $0x2  }
0x10e: {  	[tilespmem:s12+$0xE470] =	vst v8;
	s12 =	smov.u32 s16  }
0x10f: {  	v8 =	vld.idx.msk [tilespmem:v9+s29+$0x0], $0xffff  }
0x110: {  	v9 =	vshll.u32 v10, $0x7  }
0x111: {  	v9 =	vor.u32 v1, v9  }
0x112: {  	v10 =	vld [tilespmem:s12+$0x20];
	_ =	sdelay $0x2  }
0x113: {  	[tilespmem:s12+$0xE400] =	vst v8  }
0x114: {  	v8 =	vld.idx.msk [tilespmem:v9+s29+$0x0], $0xffff  }
0x115: {  	v9 =	vshll.u32 v10, $0x7  }
0x116: {  	v9 =	vor.u32 v2, v9  }
0x117: {  	v10 =	vld [tilespmem:s12+$0x30];
	_ =	sdelay $0x2  }
0x118: {  	[tilespmem:s12+$0xE410] =	vst v8  }
0x119: {  	v8 =	vld.idx.msk [tilespmem:v9+s29+$0x0], $0xffff  }
0x11a: {  	v9 =	vshll.u32 v10, $0x7  }
0x11b: {  	v9 =	vor.u32 v3, v9  }
0x11c: {  	v10 =	vld [tilespmem:s12+$0x40];
	_ =	sdelay $0x2  }
0x11d: {  	[tilespmem:s12+$0xE420] =	vst v8  }
0x11e: {  	v8 =	vld.idx.msk [tilespmem:v9+s29+$0x0], $0xffff  }
0x11f: {  	v9 =	vshll.u32 v10, $0x7  }
0x120: {  	v9 =	vor.u32 v4, v9  }
0x121: {  	v10 =	vld [tilespmem:s12+$0x50];
	_ =	sdelay $0x2  }
0x122: {  	[tilespmem:s12+$0xE430] =	vst v8  }
0x123: {  	v8 =	vld.idx.msk [tilespmem:v9+s29+$0x0], $0xffff  }
0x124: {  	v9 =	vshll.u32 v10, $0x7  }
0x125: {  	v9 =	vor.u32 v5, v9  }
0x126: {  	v10 =	vld [tilespmem:s12+$0x60];
	_ =	sdelay $0x2  }
0x127: {  	[tilespmem:s12+$0xE440] =	vst v8  }
0x128: {  	v8 =	vld.idx.msk [tilespmem:v9+s29+$0x0], $0xffff  }
0x129: {  	v9 =	vshll.u32 v10, $0x7  }
0x12a: {  	v9 =	vor.u32 v6, v9  }
0x12b: {  	v10 =	vld [tilespmem:s12+$0x70];
	_ =	sdelay $0x1  }
.Ltmp2:
0x12c: {  	(pc) =	sbr.rel @p0 .LBB2_7-.Ltmp2, $4  }
0x12d: {  	[tilespmem:s12+$0xE450] =	vst v8  }
0x12e: {  	v8 =	vld.idx.msk [tilespmem:v9+s29+$0x0], $0xffff  }
0x12f: {  	v9 =	vshll.u32 v10, $0x7  }
0x130: {  	s16 =	sshra.s32 s14, $0x2;
	s14 =	sadd.s32 $0x200, s14;
	v9 =	vor.u32 v7, v9  }
0x131: {  	v10 =	vld [tilespmem:s16+$0x0];
	_ =	sdelay $0x3  }
0x132: {  	[tilespmem:s12+$0xE460] =	vst v8  }
0x133: {  	v8 =	vld.idx.msk [tilespmem:v9+s29+$0x0], $0xffff;
	v9 =	vshll.u32 v10, $0x7  }
0x134: {  	v10 =	vld [tilespmem:s16+$0x10];
	v9 =	vor.u32 v0, v9;
	_ =	sdelay $0x3  }
0x135: {  	[tilespmem:s12+$0xE470] =	vst v8  }
0x136: {  	v8 =	vld.idx.msk [tilespmem:v9+s29+$0x0], $0xffff;
	v9 =	vshll.u32 v10, $0x7  }
0x137: {  	v10 =	vld [tilespmem:s16+$0x20];
	v9 =	vor.u32 v1, v9;
	_ =	sdelay $0x3  }
0x138: {  	[tilespmem:s16+$0xE400] =	vst v8  }
0x139: {  	v8 =	vld.idx.msk [tilespmem:v9+s29+$0x0], $0xffff;
	v9 =	vshll.u32 v10, $0x7  }
0x13a: {  	v10 =	vld [tilespmem:s16+$0x30];
	v9 =	vor.u32 v2, v9;
	_ =	sdelay $0x3  }
0x13b: {  	[tilespmem:s16+$0xE410] =	vst v8  }
0x13c: {  	v8 =	vld.idx.msk [tilespmem:v9+s29+$0x0], $0xffff;
	v9 =	vshll.u32 v10, $0x7  }
0x13d: {  	v10 =	vld [tilespmem:s16+$0x40];
	v9 =	vor.u32 v3, v9;
	_ =	sdelay $0x3  }
0x13e: {  	[tilespmem:s16+$0xE420] =	vst v8  }
0x13f: {  	v8 =	vld.idx.msk [tilespmem:v9+s29+$0x0], $0xffff;
	v9 =	vshll.u32 v10, $0x7  }
0x140: {  	v10 =	vld [tilespmem:s16+$0x50];
	v9 =	vor.u32 v4, v9;
	_ =	sdelay $0x3  }
0x141: {  	[tilespmem:s16+$0xE430] =	vst v8  }
0x142: {  	v8 =	vld.idx.msk [tilespmem:v9+s29+$0x0], $0xffff;
	v9 =	vshll.u32 v10, $0x7  }
0x143: {  	v10 =	vld [tilespmem:s16+$0x60];
	v9 =	vor.u32 v5, v9;
	_ =	sdelay $0x3  }
0x144: {  	[tilespmem:s16+$0xE440] =	vst v8  }
0x145: {  	v8 =	vld.idx.msk [tilespmem:v9+s29+$0x0], $0xffff;
	v9 =	vshll.u32 v10, $0x7  }
0x146: {  	v10 =	vld [tilespmem:s16+$0x70];
	v9 =	vor.u32 v6, v9;
	_ =	sdelay $0x3  }
0x147: {  	[tilespmem:s16+$0xE450] =	vst v8  }
0x148: {  	v8 =	vld.idx.msk [tilespmem:v9+s29+$0x0], $0xffff;
	v9 =	vshll.u32 v10, $0x7  }
0x149: {  	v9 =	vor.u32 v7, v9;
	_ =	sdelay $0x3  }
0x14a: {  	[tilespmem:s16+$0xE460] =	vst v8  }
0x14b: {  	s17 =	sshll.u32 s11, $0x8;
	s15 =	sshll.u32 s11, $0xD;
	v8 =	vld.idx.msk [tilespmem:v9+s29+$0x0], $0xffff  }
0x14c: {  	s14 =	sand.u32 $0x300, s17;
	s15 =	sand.u32 $0x38000, s15  }
0x14d: {  	s12 =	sor.u32 s14, s15  }
0x14e: {  	s12 =	sor.u32 s5, s12  }
0x14f: {  	s17 =	sshrl.u32 s12, $0x3;
	s12 =	sshll.u32 s11, $0x1  }
0x150: {  	s18 =	sadd.s32 s3, s17;
	s17 =	sadd.s32 $0x2, s12;
	[tilespmem:s16+$0xE470] =	vst v8  }
0x151: {  	[hbm4b:s18+s26] =	stream.strided.scatter [tilespmem:s0], [sflag:$0x3], $0x1900, s28, s26, $0x38;
	[tilespmem:$0x11C00] =	vst v63  }
0x152: {  	s16 =	sshll.u32 s17, $0x7;
	s18 =	sshll.u32 s17, $0xC  }
0x153: {  	s16 =	sand.u32 $0x300, s16;
	s17 =	sand.u32 $0x78000, s18  }
0x154: {  	s16 =	sor.u32 s17, s16  }
0x155: {  	s16 =	sor.u32 s5, s16  }
0x156: {  	s16 =	sshrl.u32 s16, $0x3  }
0x157: {  	s18 =	sadd.s32 s1, s16  }
0x158: {  	[tilespmem:s29], [sflag:$0x1] =	stream.strided.gather [hbm4b:s18+s26], $0x3200, s28, s26, $0x38;
	[tilespmem:$0x11C00] =	vst v63  }
0x159: {  	s16 =	sadd.s32 s16, s8  }
0x15a: {  	[tilespmem:s30], [sflag:$0x1] =	stream.strided.gather [hbm4b:s16+s26], $0x3200, s28, s26, $0x38;
	[tilespmem:$0x11C00] =	vst v63  }
0x15b: {  	_ =	swait.ge [sflag:s22], $0x6400  }
0x15c: {  	[sflag:s22] =	ssyncset.done $0x0  }
0x15d: {  	[sflag:s22] =	ssyncadd.s32 $0xFFFF9C00  }
0x15e: {  	_ =	swait.ge [sflag:s7], $0x1900  }
0x15f: {  	[sflag:s7] =	ssyncset.done $0x0  }
0x160: {  	s16 =	simm.s32 $0x0;
	[sflag:s7] =	ssyncadd.s32 $0xFFFFE700  }
0x161: {  	v8 =	vld [tilespmem:s16+$0x0];
	_ =	sdelay $0x4  }
0x162: {  	v8 =	vshll.u32 v8, $0x7  }
0x163: {  	v9 =	vld [tilespmem:s16+$0x10];
	v8 =	vor.u32 v0, v8;
	_ =	sdelay $0x4  }
0x164: {  	v9 =	vshll.u32 v9, $0x7;
	v8 =	vld.idx.msk [tilespmem:v8+s23+$0x0], $0xffff  }
0x165: {  	v10 =	vld [tilespmem:s16+$0x20];
	v9 =	vor.u32 v1, v9;
	_ =	sdelay $0x3  }
0x166: {  	[tilespmem:s16+$0x10000] =	vst v8  }
0x167: {  	v8 =	vld.idx.msk [tilespmem:v9+s23+$0x0], $0xffff;
	v9 =	vshll.u32 v10, $0x7  }
0x168: {  	v10 =	vld [tilespmem:s16+$0x30];
	v9 =	vor.u32 v2, v9;
	_ =	sdelay $0x3  }
0x169: {  	[tilespmem:s16+$0x10010] =	vst v8  }
0x16a: {  	v8 =	vld.idx.msk [tilespmem:v9+s23+$0x0], $0xffff;
	v9 =	vshll.u32 v10, $0x7  }
0x16b: {  	v10 =	vld [tilespmem:s16+$0x40];
	v9 =	vor.u32 v3, v9;
	_ =	sdelay $0x3  }
0x16c: {  	[tilespmem:s16+$0x10020] =	vst v8  }
0x16d: {  	v8 =	vld.idx.msk [tilespmem:v9+s23+$0x0], $0xffff;
	v9 =	vshll.u32 v10, $0x7  }
0x16e: {  	v10 =	vld [tilespmem:s16+$0x50];
	v9 =	vor.u32 v4, v9;
	_ =	sdelay $0x3  }
0x16f: {  	[tilespmem:s16+$0x10030] =	vst v8  }
0x170: {  	v8 =	vld.idx.msk [tilespmem:v9+s23+$0x0], $0xffff;
	v9 =	vshll.u32 v10, $0x7  }
0x171: {  	v10 =	vld [tilespmem:s16+$0x60];
	v9 =	vor.u32 v5, v9;
	_ =	sdelay $0x3  }
0x172: {  	[tilespmem:s16+$0x10040] =	vst v8  }
0x173: {  	v8 =	vld.idx.msk [tilespmem:v9+s23+$0x0], $0xffff;
	v9 =	vshll.u32 v10, $0x7  }
0x174: {  	v10 =	vld [tilespmem:s16+$0x70];
	v9 =	vor.u32 v6, v9;
	_ =	sdelay $0x3  }
0x175: {  	[tilespmem:s16+$0x10050] =	vst v8  }
0x176: {  	v10 =	vshll.u32 v10, $0x7;
	v8 =	vld.idx.msk [tilespmem:v9+s23+$0x0], $0xffff  }
0x177: {  	s17 =	simm.s32 $0x400;
	s18 =	simm.s32 $0x80;
	v9 =	vor.u32 v7, v10  }
.LBB2_9:
0x178: {  	p0 =	sne.s32 s17, $0x6200;
	v10 =	vld [tilespmem:s18+$0x0];
	_ =	sdelay $0x2  }
0x179: {  	[tilespmem:s16+$0x10060] =	vst v8  }
0x17a: {  	v8 =	vld.idx.msk [tilespmem:v9+s23+$0x0], $0xffff  }
0x17b: {  	v9 =	vshll.u32 v10, $0x7  }
0x17c: {  	v9 =	vor.u32 v0, v9  }
0x17d: {  	v10 =	vld [tilespmem:s18+$0x10];
	_ =	sdelay $0x2  }
0x17e: {  	[tilespmem:s16+$0x10070] =	vst v8;
	s16 =	smov.u32 s18  }
0x17f: {  	v8 =	vld.idx.msk [tilespmem:v9+s23+$0x0], $0xffff  }
0x180: {  	v9 =	vshll.u32 v10, $0x7  }
0x181: {  	v9 =	vor.u32 v1, v9  }
0x182: {  	v10 =	vld [tilespmem:s16+$0x20];
	_ =	sdelay $0x2  }
0x183: {  	[tilespmem:s16+$0x10000] =	vst v8  }
0x184: {  	v8 =	vld.idx.msk [tilespmem:v9+s23+$0x0], $0xffff  }
0x185: {  	v9 =	vshll.u32 v10, $0x7  }
0x186: {  	v9 =	vor.u32 v2, v9  }
0x187: {  	v10 =	vld [tilespmem:s16+$0x30];
	_ =	sdelay $0x2  }
0x188: {  	[tilespmem:s16+$0x10010] =	vst v8  }
0x189: {  	v8 =	vld.idx.msk [tilespmem:v9+s23+$0x0], $0xffff  }
0x18a: {  	v9 =	vshll.u32 v10, $0x7  }
0x18b: {  	v9 =	vor.u32 v3, v9  }
0x18c: {  	v10 =	vld [tilespmem:s16+$0x40];
	_ =	sdelay $0x2  }
0x18d: {  	[tilespmem:s16+$0x10020] =	vst v8  }
0x18e: {  	v8 =	vld.idx.msk [tilespmem:v9+s23+$0x0], $0xffff  }
0x18f: {  	v9 =	vshll.u32 v10, $0x7  }
0x190: {  	v9 =	vor.u32 v4, v9  }
0x191: {  	v10 =	vld [tilespmem:s16+$0x50];
	_ =	sdelay $0x2  }
0x192: {  	[tilespmem:s16+$0x10030] =	vst v8  }
0x193: {  	v8 =	vld.idx.msk [tilespmem:v9+s23+$0x0], $0xffff  }
0x194: {  	v9 =	vshll.u32 v10, $0x7  }
0x195: {  	v9 =	vor.u32 v5, v9  }
0x196: {  	v10 =	vld [tilespmem:s16+$0x60];
	_ =	sdelay $0x2  }
0x197: {  	[tilespmem:s16+$0x10040] =	vst v8  }
0x198: {  	v8 =	vld.idx.msk [tilespmem:v9+s23+$0x0], $0xffff  }
0x199: {  	v9 =	vshll.u32 v10, $0x7  }
0x19a: {  	v9 =	vor.u32 v6, v9  }
0x19b: {  	v10 =	vld [tilespmem:s16+$0x70];
	_ =	sdelay $0x1  }
.Ltmp3:
0x19c: {  	(pc) =	sbr.rel @p0 .LBB2_9-.Ltmp3, $4  }
0x19d: {  	[tilespmem:s16+$0x10050] =	vst v8  }
0x19e: {  	v8 =	vld.idx.msk [tilespmem:v9+s23+$0x0], $0xffff  }
0x19f: {  	v9 =	vshll.u32 v10, $0x7  }
0x1a0: {  	s18 =	sshra.s32 s17, $0x2;
	s17 =	sadd.s32 $0x200, s17;
	v9 =	vor.u32 v7, v9  }
0x1a1: {  	v10 =	vld [tilespmem:s18+$0x0];
	_ =	sdelay $0x3  }
0x1a2: {  	[tilespmem:s16+$0x10060] =	vst v8  }
0x1a3: {  	v8 =	vld.idx.msk [tilespmem:v9+s23+$0x0], $0xffff;
	v49 =	vshll.u32 v10, $0x7  }
0x1a4: {  	v50 =	vld [tilespmem:s18+$0x10];
	v9 =	vor.u32 v0, v49;
	_ =	sdelay $0x3  }
0x1a5: {  	[tilespmem:s16+$0x10070] =	vst v8  }
0x1a6: {  	v51 =	vshll.u32 v50, $0x7;
	v8 =	vld.idx.msk [tilespmem:v9+s23+$0x0], $0xffff  }
0x1a7: {  	v52 =	vld [tilespmem:s18+$0x20];
	v9 =	vor.u32 v1, v51;
	_ =	sdelay $0x3  }
0x1a8: {  	[tilespmem:s18+$0x10000] =	vst v8  }
0x1a9: {  	v53 =	vshll.u32 v52, $0x7;
	v8 =	vld.idx.msk [tilespmem:v9+s23+$0x0], $0xffff  }
0x1aa: {  	v54 =	vld [tilespmem:s18+$0x30];
	v9 =	vor.u32 v2, v53;
	_ =	sdelay $0x3  }
0x1ab: {  	[tilespmem:s18+$0x10010] =	vst v8  }
0x1ac: {  	v55 =	vshll.u32 v54, $0x7;
	v8 =	vld.idx.msk [tilespmem:v9+s23+$0x0], $0xffff  }
0x1ad: {  	v56 =	vld [tilespmem:s18+$0x40];
	v9 =	vor.u32 v3, v55;
	_ =	sdelay $0x3  }
0x1ae: {  	[tilespmem:s18+$0x10020] =	vst v8  }
0x1af: {  	v57 =	vshll.u32 v56, $0x7;
	v8 =	vld.idx.msk [tilespmem:v9+s23+$0x0], $0xffff  }
0x1b0: {  	v58 =	vld [tilespmem:s18+$0x50];
	v9 =	vor.u32 v4, v57;
	_ =	sdelay $0x3  }
0x1b1: {  	[tilespmem:s18+$0x10030] =	vst v8  }
0x1b2: {  	v59 =	vshll.u32 v58, $0x7;
	v8 =	vld.idx.msk [tilespmem:v9+s23+$0x0], $0xffff  }
0x1b3: {  	v60 =	vld [tilespmem:s18+$0x60];
	v9 =	vor.u32 v5, v59;
	_ =	sdelay $0x3  }
0x1b4: {  	[tilespmem:s18+$0x10040] =	vst v8  }
0x1b5: {  	v61 =	vshll.u32 v60, $0x7;
	v8 =	vld.idx.msk [tilespmem:v9+s23+$0x0], $0xffff  }
0x1b6: {  	v62 =	vld [tilespmem:s18+$0x70];
	v9 =	vor.u32 v6, v61;
	_ =	sdelay $0x3  }
0x1b7: {  	[tilespmem:s18+$0x10050] =	vst v8  }
0x1b8: {  	v63 =	vshll.u32 v62, $0x7;
	v8 =	vld.idx.msk [tilespmem:v9+s23+$0x0], $0xffff  }
0x1b9: {  	v9 =	vor.u32 v7, v63;
	_ =	sdelay $0x3  }
0x1ba: {  	[tilespmem:s18+$0x10060] =	vst v8  }
0x1bb: {  	v8 =	vld.idx.msk [tilespmem:v9+s23+$0x0], $0xffff  }
0x1bc: {  	s14 =	sor.u32 s14, s5  }
0x1bd: {  	s14 =	sor.u32 s15, s14  }
0x1be: {  	s14 =	sshrl.u32 s14, $0x3  }
0x1bf: {  	s12 =	sadd.s32 $0x3, s12;
	s14 =	sadd.s32 s14, s3  }
0x1c0: {  	s17 =	sshll.u32 s12, $0xC;
	s12 =	sshll.u32 s12, $0x7;
	s14 =	sadd.s32 $0x10, s14;
	[tilespmem:s18+$0x10070] =	vst v8  }
0x1c1: {  	[hbm4b:s14+s26] =	stream.strided.scatter [tilespmem:s24], [sflag:$0x4], $0x1900, s28, s26, $0x38;
	[tilespmem:$0x11C00] =	vst v63  }
0x1c2: {  	s12 =	sand.u32 $0x380, s12;
	s14 =	sand.u32 $0x78000, s17  }
0x1c3: {  	s11 =	sadd.s32 $0x1, s11;
	s12 =	sor.u32 s14, s12  }
0x1c4: {  	p0 =	sne.s32 s11, $0x1F;
	s12 =	sor.u32 s5, s12  }
.Ltmp4:
0x1c5: {  	s12 =	sshrl.u32 s12, $0x3;
	(pc) =	sbr.rel @p0 .LBB2_6-.Ltmp4, $4  }
0x1c6: {  	s18 =	sadd.s32 s1, s12  }
0x1c7: {  	[tilespmem:s23], [sflag:$0x2] =	stream.strided.gather [hbm4b:s18+s26], $0x3200, s28, s26, $0x38;
	[tilespmem:$0x11C00] =	vst v63  }
0x1c8: {  	s12 =	sadd.s32 s12, s8  }
0x1c9: {  	[tilespmem:s31], [sflag:$0x2] =	stream.strided.gather [hbm4b:s12+s26], $0x3200, s28, s26, $0x38;
	[tilespmem:$0x11C00] =	vst v63  }
0x1ca: {  	_ =	swait.ge [sflag:s2], $0x6400  }
0x1cb: {  	[sflag:s2] =	ssyncset.done $0x0  }
0x1cc: {  	[sflag:s2] =	ssyncadd.s32 $0xFFFF9C00  }
0x1cd: {  	_ =	swait.ge [sflag:s4], $0x1900  }
0x1ce: {  	[sflag:s4] =	ssyncset.done $0x0  }
0x1cf: {  	s11 =	simm.s32 $0x0;
	[sflag:s4] =	ssyncadd.s32 $0xFFFFE700  }
0x1d0: {  	v8 =	vld [tilespmem:s11+$0x0];
	_ =	sdelay $0x4  }
0x1d1: {  	v8 =	vshll.u32 v8, $0x7  }
0x1d2: {  	v9 =	vld [tilespmem:s11+$0x10];
	v8 =	vor.u32 v0, v8;
	_ =	sdelay $0x4  }
0x1d3: {  	v9 =	vshll.u32 v9, $0x7;
	v8 =	vld.idx.msk [tilespmem:v8+s29+$0x0], $0xffff  }
0x1d4: {  	v10 =	vld [tilespmem:s11+$0x20];
	v9 =	vor.u32 v1, v9;
	_ =	sdelay $0x3  }
0x1d5: {  	[tilespmem:s11+$0xE400] =	vst v8  }
0x1d6: {  	v8 =	vld.idx.msk [tilespmem:v9+s29+$0x0], $0xffff;
	v9 =	vshll.u32 v10, $0x7  }
0x1d7: {  	v10 =	vld [tilespmem:s11+$0x30];
	v9 =	vor.u32 v2, v9;
	_ =	sdelay $0x3  }
0x1d8: {  	[tilespmem:s11+$0xE410] =	vst v8  }
0x1d9: {  	v8 =	vld.idx.msk [tilespmem:v9+s29+$0x0], $0xffff;
	v9 =	vshll.u32 v10, $0x7  }
0x1da: {  	v10 =	vld [tilespmem:s11+$0x40];
	v9 =	vor.u32 v3, v9;
	_ =	sdelay $0x3  }
0x1db: {  	[tilespmem:s11+$0xE420] =	vst v8  }
0x1dc: {  	v8 =	vld.idx.msk [tilespmem:v9+s29+$0x0], $0xffff;
	v9 =	vshll.u32 v10, $0x7  }
0x1dd: {  	v10 =	vld [tilespmem:s11+$0x50];
	v9 =	vor.u32 v4, v9;
	_ =	sdelay $0x3  }
0x1de: {  	[tilespmem:s11+$0xE430] =	vst v8  }
0x1df: {  	v8 =	vld.idx.msk [tilespmem:v9+s29+$0x0], $0xffff;
	v9 =	vshll.u32 v10, $0x7  }
0x1e0: {  	v10 =	vld [tilespmem:s11+$0x60];
	v9 =	vor.u32 v5, v9;
	_ =	sdelay $0x3  }
0x1e1: {  	[tilespmem:s11+$0xE440] =	vst v8  }
0x1e2: {  	v8 =	vld.idx.msk [tilespmem:v9+s29+$0x0], $0xffff;
	v9 =	vshll.u32 v10, $0x7  }
0x1e3: {  	v10 =	vld [tilespmem:s11+$0x70];
	v9 =	vor.u32 v6, v9;
	_ =	sdelay $0x3  }
0x1e4: {  	[tilespmem:s11+$0xE450] =	vst v8  }
0x1e5: {  	v10 =	vshll.u32 v10, $0x7;
	v8 =	vld.idx.msk [tilespmem:v9+s29+$0x0], $0xffff  }
0x1e6: {  	s14 =	simm.s32 $0x80;
	s12 =	simm.s32 $0x400;
	v9 =	vor.u32 v7, v10  }
.LBB2_12:
0x1e7: {  	p0 =	sne.s32 s12, $0x6200;
	v10 =	vld [tilespmem:s14+$0x0];
	_ =	sdelay $0x2  }
0x1e8: {  	[tilespmem:s11+$0xE460] =	vst v8  }
0x1e9: {  	v8 =	vld.idx.msk [tilespmem:v9+s29+$0x0], $0xffff  }
0x1ea: {  	v9 =	vshll.u32 v10, $0x7  }
0x1eb: {  	v9 =	vor.u32 v0, v9  }
0x1ec: {  	v10 =	vld [tilespmem:s14+$0x10];
	_ =	sdelay $0x2  }
0x1ed: {  	[tilespmem:s11+$0xE470] =	vst v8;
	s11 =	smov.u32 s14  }
0x1ee: {  	v8 =	vld.idx.msk [tilespmem:v9+s29+$0x0], $0xffff  }
0x1ef: {  	v9 =	vshll.u32 v10, $0x7  }
0x1f0: {  	v9 =	vor.u32 v1, v9  }
0x1f1: {  	v10 =	vld [tilespmem:s11+$0x20];
	_ =	sdelay $0x2  }
0x1f2: {  	[tilespmem:s11+$0xE400] =	vst v8  }
0x1f3: {  	v8 =	vld.idx.msk [tilespmem:v9+s29+$0x0], $0xffff  }
0x1f4: {  	v9 =	vshll.u32 v10, $0x7  }
0x1f5: {  	v9 =	vor.u32 v2, v9  }
0x1f6: {  	v10 =	vld [tilespmem:s11+$0x30];
	_ =	sdelay $0x2  }
0x1f7: {  	[tilespmem:s11+$0xE410] =	vst v8  }
0x1f8: {  	v8 =	vld.idx.msk [tilespmem:v9+s29+$0x0], $0xffff  }
0x1f9: {  	v9 =	vshll.u32 v10, $0x7  }
0x1fa: {  	v9 =	vor.u32 v3, v9  }
0x1fb: {  	v10 =	vld [tilespmem:s11+$0x40];
	_ =	sdelay $0x2  }
0x1fc: {  	[tilespmem:s11+$0xE420] =	vst v8  }
0x1fd: {  	v8 =	vld.idx.msk [tilespmem:v9+s29+$0x0], $0xffff  }
0x1fe: {  	v9 =	vshll.u32 v10, $0x7  }
0x1ff: {  	v9 =	vor.u32 v4, v9  }
0x200: {  	v10 =	vld [tilespmem:s11+$0x50];
	_ =	sdelay $0x2  }
0x201: {  	[tilespmem:s11+$0xE430] =	vst v8  }
0x202: {  	v8 =	vld.idx.msk [tilespmem:v9+s29+$0x0], $0xffff  }
0x203: {  	v9 =	vshll.u32 v10, $0x7  }
0x204: {  	v9 =	vor.u32 v5, v9  }
0x205: {  	v10 =	vld [tilespmem:s11+$0x60];
	_ =	sdelay $0x2  }
0x206: {  	[tilespmem:s11+$0xE440] =	vst v8  }
0x207: {  	v8 =	vld.idx.msk [tilespmem:v9+s29+$0x0], $0xffff  }
0x208: {  	v9 =	vshll.u32 v10, $0x7  }
0x209: {  	v9 =	vor.u32 v6, v9  }
0x20a: {  	v10 =	vld [tilespmem:s11+$0x70];
	_ =	sdelay $0x1  }
.Ltmp5:
0x20b: {  	(pc) =	sbr.rel @p0 .LBB2_12-.Ltmp5, $4  }
0x20c: {  	[tilespmem:s11+$0xE450] =	vst v8  }
0x20d: {  	v8 =	vld.idx.msk [tilespmem:v9+s29+$0x0], $0xffff  }
0x20e: {  	v9 =	vshll.u32 v10, $0x7  }
0x20f: {  	s14 =	sshra.s32 s12, $0x2;
	s12 =	sadd.s32 $0x200, s12;
	v9 =	vor.u32 v7, v9  }
0x210: {  	v10 =	vld [tilespmem:s14+$0x0];
	_ =	sdelay $0x3  }
0x211: {  	[tilespmem:s11+$0xE460] =	vst v8  }
0x212: {  	v8 =	vld.idx.msk [tilespmem:v9+s29+$0x0], $0xffff;
	v9 =	vshll.u32 v10, $0x7  }
0x213: {  	v10 =	vld [tilespmem:s14+$0x10];
	v9 =	vor.u32 v0, v9;
	_ =	sdelay $0x3  }
0x214: {  	[tilespmem:s11+$0xE470] =	vst v8  }
0x215: {  	v8 =	vld.idx.msk [tilespmem:v9+s29+$0x0], $0xffff;
	v9 =	vshll.u32 v10, $0x7  }
0x216: {  	v10 =	vld [tilespmem:s14+$0x20];
	v9 =	vor.u32 v1, v9;
	_ =	sdelay $0x3  }
0x217: {  	[tilespmem:s14+$0xE400] =	vst v8  }
0x218: {  	v8 =	vld.idx.msk [tilespmem:v9+s29+$0x0], $0xffff;
	v9 =	vshll.u32 v10, $0x7  }
0x219: {  	v10 =	vld [tilespmem:s14+$0x30];
	v9 =	vor.u32 v2, v9;
	_ =	sdelay $0x3  }
0x21a: {  	[tilespmem:s14+$0xE410] =	vst v8  }
0x21b: {  	v8 =	vld.idx.msk [tilespmem:v9+s29+$0x0], $0xffff;
	v9 =	vshll.u32 v10, $0x7  }
0x21c: {  	v10 =	vld [tilespmem:s14+$0x40];
	v9 =	vor.u32 v3, v9;
	_ =	sdelay $0x3  }
0x21d: {  	[tilespmem:s14+$0xE420] =	vst v8  }
0x21e: {  	v8 =	vld.idx.msk [tilespmem:v9+s29+$0x0], $0xffff;
	v9 =	vshll.u32 v10, $0x7  }
0x21f: {  	v10 =	vld [tilespmem:s14+$0x50];
	v9 =	vor.u32 v4, v9;
	_ =	sdelay $0x3  }
0x220: {  	[tilespmem:s14+$0xE430] =	vst v8  }
0x221: {  	v8 =	vld.idx.msk [tilespmem:v9+s29+$0x0], $0xffff;
	v9 =	vshll.u32 v10, $0x7  }
0x222: {  	v10 =	vld [tilespmem:s14+$0x60];
	v9 =	vor.u32 v5, v9;
	_ =	sdelay $0x3  }
0x223: {  	[tilespmem:s14+$0xE440] =	vst v8  }
0x224: {  	v8 =	vld.idx.msk [tilespmem:v9+s29+$0x0], $0xffff;
	v9 =	vshll.u32 v10, $0x7  }
0x225: {  	v10 =	vld [tilespmem:s14+$0x70];
	v9 =	vor.u32 v6, v9;
	_ =	sdelay $0x3  }
0x226: {  	[tilespmem:s14+$0xE450] =	vst v8  }
0x227: {  	v8 =	vld.idx.msk [tilespmem:v9+s29+$0x0], $0xffff;
	v9 =	vshll.u32 v10, $0x7  }
0x228: {  	v9 =	vor.u32 v7, v9;
	_ =	sdelay $0x3  }
0x229: {  	[tilespmem:s14+$0xE460] =	vst v8  }
0x22a: {  	v8 =	vld.idx.msk [tilespmem:v9+s29+$0x0], $0xffff;
	_ =	sdelay $0x4  }
0x22b: {  	[tilespmem:s14+$0xE470] =	vst v8  }
0x22c: {  	[hbm4b:s19+s26] =	stream.strided.scatter [tilespmem:s0], [sflag:$0x3], $0x1900, s28, s26, $0x38;
	[tilespmem:$0x11C00] =	vst v63  }
0x22d: {  	_ =	swait.ge [sflag:s22], $0x6400  }
0x22e: {  	[sflag:s22] =	ssyncset.done $0x0  }
0x22f: {  	[sflag:s22] =	ssyncadd.s32 $0xFFFF9C00  }
0x230: {  	_ =	swait.ge [sflag:s7], $0x1900  }
0x231: {  	[sflag:s7] =	ssyncset.done $0x0  }
0x232: {  	s11 =	simm.s32 $0x0;
	[sflag:s7] =	ssyncadd.s32 $0xFFFFE700  }
0x233: {  	v8 =	vld [tilespmem:s11+$0x0];
	_ =	sdelay $0x4  }
0x234: {  	v8 =	vshll.u32 v8, $0x7  }
0x235: {  	v9 =	vld [tilespmem:s11+$0x10];
	v8 =	vor.u32 v0, v8;
	_ =	sdelay $0x4  }
0x236: {  	v9 =	vshll.u32 v9, $0x7;
	v8 =	vld.idx.msk [tilespmem:v8+s23+$0x0], $0xffff  }
0x237: {  	v10 =	vld [tilespmem:s11+$0x20];
	v9 =	vor.u32 v1, v9;
	_ =	sdelay $0x3  }
0x238: {  	[tilespmem:s11+$0x10000] =	vst v8  }
0x239: {  	v8 =	vld.idx.msk [tilespmem:v9+s23+$0x0], $0xffff;
	v9 =	vshll.u32 v10, $0x7  }
0x23a: {  	v10 =	vld [tilespmem:s11+$0x30];
	v9 =	vor.u32 v2, v9;
	_ =	sdelay $0x3  }
0x23b: {  	[tilespmem:s11+$0x10010] =	vst v8  }
0x23c: {  	v8 =	vld.idx.msk [tilespmem:v9+s23+$0x0], $0xffff;
	v9 =	vshll.u32 v10, $0x7  }
0x23d: {  	v10 =	vld [tilespmem:s11+$0x40];
	v9 =	vor.u32 v3, v9;
	_ =	sdelay $0x3  }
0x23e: {  	[tilespmem:s11+$0x10020] =	vst v8  }
0x23f: {  	v8 =	vld.idx.msk [tilespmem:v9+s23+$0x0], $0xffff;
	v9 =	vshll.u32 v10, $0x7  }
0x240: {  	v10 =	vld [tilespmem:s11+$0x50];
	v9 =	vor.u32 v4, v9;
	_ =	sdelay $0x3  }
0x241: {  	[tilespmem:s11+$0x10030] =	vst v8  }
0x242: {  	v8 =	vld.idx.msk [tilespmem:v9+s23+$0x0], $0xffff;
	v9 =	vshll.u32 v10, $0x7  }
0x243: {  	v10 =	vld [tilespmem:s11+$0x60];
	v9 =	vor.u32 v5, v9;
	_ =	sdelay $0x3  }
0x244: {  	[tilespmem:s11+$0x10040] =	vst v8  }
0x245: {  	v8 =	vld.idx.msk [tilespmem:v9+s23+$0x0], $0xffff;
	v9 =	vshll.u32 v10, $0x7  }
0x246: {  	v10 =	vld [tilespmem:s11+$0x70];
	v9 =	vor.u32 v6, v9;
	_ =	sdelay $0x3  }
0x247: {  	[tilespmem:s11+$0x10050] =	vst v8  }
0x248: {  	v10 =	vshll.u32 v10, $0x7;
	v8 =	vld.idx.msk [tilespmem:v9+s23+$0x0], $0xffff  }
0x249: {  	s12 =	simm.s32 $0x400;
	s14 =	simm.s32 $0x80;
	v9 =	vor.u32 v7, v10  }
.LBB2_14:
0x24a: {  	p0 =	sne.s32 s12, $0x6200;
	v10 =	vld [tilespmem:s14+$0x0];
	_ =	sdelay $0x2  }
0x24b: {  	[tilespmem:s11+$0x10060] =	vst v8  }
0x24c: {  	v8 =	vld.idx.msk [tilespmem:v9+s23+$0x0], $0xffff  }
0x24d: {  	v9 =	vshll.u32 v10, $0x7  }
0x24e: {  	v9 =	vor.u32 v0, v9  }
0x24f: {  	v10 =	vld [tilespmem:s14+$0x10];
	_ =	sdelay $0x2  }
0x250: {  	[tilespmem:s11+$0x10070] =	vst v8;
	s11 =	smov.u32 s14  }
0x251: {  	v8 =	vld.idx.msk [tilespmem:v9+s23+$0x0], $0xffff  }
0x252: {  	v9 =	vshll.u32 v10, $0x7  }
0x253: {  	v9 =	vor.u32 v1, v9  }
0x254: {  	v10 =	vld [tilespmem:s11+$0x20];
	_ =	sdelay $0x2  }
0x255: {  	[tilespmem:s11+$0x10000] =	vst v8  }
0x256: {  	v8 =	vld.idx.msk [tilespmem:v9+s23+$0x0], $0xffff  }
0x257: {  	v9 =	vshll.u32 v10, $0x7  }
0x258: {  	v9 =	vor.u32 v2, v9  }
0x259: {  	v10 =	vld [tilespmem:s11+$0x30];
	_ =	sdelay $0x2  }
0x25a: {  	[tilespmem:s11+$0x10010] =	vst v8  }
0x25b: {  	v8 =	vld.idx.msk [tilespmem:v9+s23+$0x0], $0xffff  }
0x25c: {  	v9 =	vshll.u32 v10, $0x7  }
0x25d: {  	v9 =	vor.u32 v3, v9  }
0x25e: {  	v10 =	vld [tilespmem:s11+$0x40];
	_ =	sdelay $0x2  }
0x25f: {  	[tilespmem:s11+$0x10020] =	vst v8  }
0x260: {  	v8 =	vld.idx.msk [tilespmem:v9+s23+$0x0], $0xffff  }
0x261: {  	v9 =	vshll.u32 v10, $0x7  }
0x262: {  	v9 =	vor.u32 v4, v9  }
0x263: {  	v10 =	vld [tilespmem:s11+$0x50];
	_ =	sdelay $0x2  }
0x264: {  	[tilespmem:s11+$0x10030] =	vst v8  }
0x265: {  	v8 =	vld.idx.msk [tilespmem:v9+s23+$0x0], $0xffff  }
0x266: {  	v9 =	vshll.u32 v10, $0x7  }
0x267: {  	v9 =	vor.u32 v5, v9  }
0x268: {  	v10 =	vld [tilespmem:s11+$0x60];
	_ =	sdelay $0x2  }
0x269: {  	[tilespmem:s11+$0x10040] =	vst v8  }
0x26a: {  	v8 =	vld.idx.msk [tilespmem:v9+s23+$0x0], $0xffff  }
0x26b: {  	v9 =	vshll.u32 v10, $0x7  }
0x26c: {  	v9 =	vor.u32 v6, v9  }
0x26d: {  	v10 =	vld [tilespmem:s11+$0x70];
	_ =	sdelay $0x1  }
.Ltmp6:
0x26e: {  	(pc) =	sbr.rel @p0 .LBB2_14-.Ltmp6, $4  }
0x26f: {  	[tilespmem:s11+$0x10050] =	vst v8  }
0x270: {  	v8 =	vld.idx.msk [tilespmem:v9+s23+$0x0], $0xffff  }
0x271: {  	v9 =	vshll.u32 v10, $0x7  }
0x272: {  	s14 =	sshra.s32 s12, $0x2;
	s12 =	sadd.s32 $0x200, s12;
	v9 =	vor.u32 v7, v9  }
0x273: {  	v10 =	vld [tilespmem:s14+$0x0];
	_ =	sdelay $0x3  }
0x274: {  	[tilespmem:s11+$0x10060] =	vst v8  }
0x275: {  	v8 =	vld.idx.msk [tilespmem:v9+s23+$0x0], $0xffff;
	v49 =	vshll.u32 v10, $0x7  }
0x276: {  	v50 =	vld [tilespmem:s14+$0x10];
	v9 =	vor.u32 v0, v49;
	_ =	sdelay $0x3  }
0x277: {  	[tilespmem:s11+$0x10070] =	vst v8  }
0x278: {  	v51 =	vshll.u32 v50, $0x7;
	v8 =	vld.idx.msk [tilespmem:v9+s23+$0x0], $0xffff  }
0x279: {  	v52 =	vld [tilespmem:s14+$0x20];
	v9 =	vor.u32 v1, v51;
	_ =	sdelay $0x3  }
0x27a: {  	[tilespmem:s14+$0x10000] =	vst v8  }
0x27b: {  	v53 =	vshll.u32 v52, $0x7;
	v8 =	vld.idx.msk [tilespmem:v9+s23+$0x0], $0xffff  }
0x27c: {  	v54 =	vld [tilespmem:s14+$0x30];
	v9 =	vor.u32 v2, v53;
	_ =	sdelay $0x3  }
0x27d: {  	[tilespmem:s14+$0x10010] =	vst v8  }
0x27e: {  	v55 =	vshll.u32 v54, $0x7;
	v8 =	vld.idx.msk [tilespmem:v9+s23+$0x0], $0xffff  }
0x27f: {  	v56 =	vld [tilespmem:s14+$0x40];
	v9 =	vor.u32 v3, v55;
	_ =	sdelay $0x3  }
0x280: {  	[tilespmem:s14+$0x10020] =	vst v8  }
0x281: {  	v57 =	vshll.u32 v56, $0x7;
	v8 =	vld.idx.msk [tilespmem:v9+s23+$0x0], $0xffff  }
0x282: {  	v58 =	vld [tilespmem:s14+$0x50];
	v9 =	vor.u32 v4, v57;
	_ =	sdelay $0x3  }
0x283: {  	[tilespmem:s14+$0x10030] =	vst v8  }
0x284: {  	v59 =	vshll.u32 v58, $0x7;
	v8 =	vld.idx.msk [tilespmem:v9+s23+$0x0], $0xffff  }
0x285: {  	v60 =	vld [tilespmem:s14+$0x60];
	v9 =	vor.u32 v5, v59;
	_ =	sdelay $0x3  }
0x286: {  	[tilespmem:s14+$0x10040] =	vst v8  }
0x287: {  	v61 =	vshll.u32 v60, $0x7;
	v8 =	vld.idx.msk [tilespmem:v9+s23+$0x0], $0xffff  }
0x288: {  	v62 =	vld [tilespmem:s14+$0x70];
	v9 =	vor.u32 v6, v61;
	_ =	sdelay $0x3  }
0x289: {  	[tilespmem:s14+$0x10050] =	vst v8  }
0x28a: {  	v63 =	vshll.u32 v62, $0x7;
	v8 =	vld.idx.msk [tilespmem:v9+s23+$0x0], $0xffff  }
0x28b: {  	v9 =	vor.u32 v7, v63;
	_ =	sdelay $0x3  }
0x28c: {  	[tilespmem:s14+$0x10060] =	vst v8  }
0x28d: {  	v8 =	vld.idx.msk [tilespmem:v9+s23+$0x0], $0xffff;
	_ =	sdelay $0x4  }
0x28e: {  	s10 =	sadd.s32 $0x1, s10;
	[tilespmem:s14+$0x10070] =	vst v8  }
0x28f: {  	[hbm4b:s20+s26] =	stream.strided.scatter [tilespmem:s24], [sflag:$0x4], $0x1900, s28, s26, $0x38;
	[tilespmem:$0x11C00] =	vst v63  }
0x290: {  	p0 =	sne.s32 s10, s21;
	_ =	swait.ge [sflag:s4], $0x1900  }
.Ltmp7:
0x291: {  	[sflag:s4] =	ssyncset.done $0x0;
	(pc) =	sbr.rel @p0 .LBB2_1-.Ltmp7, $4  }
0x292: {  	[sflag:s4] =	ssyncadd.s32 $0xFFFFE700  }
0x293: {  	_ =	swait.ge [sflag:s7], $0x1900  }
0x294: {  	[sflag:s7] =	ssyncset.done $0x0  }
0x295: {  	[sflag:s7] =	ssyncadd.s32 $0xFFFFE700  }
0x296: {  	_ =	sfence.sel $0x180000  }
0x297: {  	[bflag:$0x0] =	sbarrier.arrive $0xFFFF  }
0x298: {  	_ =	strace $0x90000047  }
0x299: {  	s0 =	stileid.u32;
	[bflag:$0x2] =	sbarrier.arrive $0xFFFF  }
0x29a: {  	p0 =	sne.s32 s0, $0x0;
	s0 =	rddreg [dreg:$0x3]  }
0x29b: {  	s0 =	sadd.s32 @!p0 $0x100000, s0  }
0x29c: {  	[sflag:s0] =	ssyncadd.tile.s32 @!p0 $0x1;
	_ =	shalt  }
.Lfunc_end2:
_tile_overlayer_lowered:
.L_overlay_start_2:
0x29d: {  	(tag) =	ssettag $0x2  }
0x29e: {  	s0 =	rddreg [dreg:$0x0];
	s2 =	stileid.u32  }
0x29f: {  	s1 =	rddreg [dreg:$0x1];
	p0 =	sne.s32 s2, $0x0  }
0x2a0: {  	s3 =	rddreg [dreg:$0x2];
	[bflag:$0x3] =	sbarrier.arrive $0xFFFF;
	s2 =	simm.s32 @!p0 $0x1C05  }
0x2a1: {  	[timem:s3], [sflag:s2] =	dma.local @!p0 [hbm:s0], s1  }
0x2a2: {  	s0 =	simm.s32 @!p0 $0x5  }
0x2a3: {  	_ =	swait.ge @!p0 [sflag:s0], s1  }
0x2a4: {  	s1 =	ssub.s32 @!p0 $0x0, s1;
	[sflag:s0] =	ssyncset.done @!p0 $0x0  }
0x2a5: {  	[sflag:s0] =	ssyncadd.s32 @!p0 s1  }
0x2a6: {  	[bflag:$0x3] =	sbarrier.arrive $0xFFFF  }
0x2a7: {  	_ =	shalt  }

</sc_bundles>
